<compile_context>
chip_gen: v7x
topology: tpu7x:2x2x1
jax: 0.10.2.dev20260603
libtpu: 0.0.44.dev20260713+nightly
codegen_flags: <defaults>
</compile_context>

<pallas_src>
import jax
import jax.numpy as jnp
from jax import lax
from jax.experimental import pallas as pl
from jax.experimental.pallas import tpu as pltpu
from jax.experimental.pallas import tpu_sc as plsc

N = 5000
NCLS = 21
NOUT = NCLS - 1
LANES = 16
NPAD = 5072
NV = NPAD // LANES
UNROLL = 4
SCORE_T = 0.5


def _sload(ref, i):
    return ref[pl.ds(i, LANES)][0]


def _nms_body(comp, probs, order, obox, olab, osco,
              cy1, cx1, cy2, cx2, ps, sord,
              sy1, sx1, sy2, sx2, packed, skeep, korig, obx, ols, oss):
    wid = lax.axis_index("s") * 2 + lax.axis_index("c")

    @pl.when(wid < NOUT)
    def _work():
        cls = wid + 1
        lanes = lax.iota(jnp.int32, LANES)

        pltpu.sync_copy(comp.at[cls, 0], cy1)
        pltpu.sync_copy(comp.at[cls, 1], cx1)
        pltpu.sync_copy(comp.at[cls, 2], cy2)
        pltpu.sync_copy(comp.at[cls, 3], cx2)
        pltpu.sync_copy(probs.at[cls], ps)
        pltpu.sync_copy(order.at[wid], sord)

        def init_body(k, m):
            base = k * LANES
            idx = sord[pl.ds(base, LANES)]
            sg = plsc.load_gather(ps, [idx])
            y1 = plsc.load_gather(cy1, [idx])
            x1 = plsc.load_gather(cx1, [idx])
            y2 = plsc.load_gather(cy2, [idx])
            x2 = plsc.load_gather(cx2, [idx])
            sy1[pl.ds(base, LANES)] = y1
            sx1[pl.ds(base, LANES)] = x1
            sy2[pl.ds(base, LANES)] = y2
            sx2[pl.ds(base, LANES)] = x2
            p5 = (lanes + jnp.full((LANES,), base)) * 5
            plsc.store_scatter(packed, [p5], y1)
            plsc.store_scatter(packed, [p5 + 1], x1)
            plsc.store_scatter(packed, [p5 + 2], y2)
            plsc.store_scatter(packed, [p5 + 3], x2)
            plsc.store_scatter(packed, [p5 + 4], (y2 - y1) * (x2 - x1))
            valid = sg > SCORE_T
            skeep[pl.ds(base, LANES)] = jnp.where(valid, 1.0, 0.0)
            return m + jnp.sum(valid.astype(jnp.int32))

        m = lax.fori_loop(0, NV, init_body, jnp.int32(0))
        mv = (m + LANES - 1) // LANES

        def i_body(i, carry):
            ki = _sload(skeep, i)

            @pl.when(ki > 0.0)
            def _suppress():
                pv = packed[pl.ds(i * 5, LANES)]
                y1b = jnp.full((LANES,), pv[0])
                x1b = jnp.full((LANES,), pv[1])
                y2b = jnp.full((LANES,), pv[2])
                x2b = jnp.full((LANES,), pv[3])
                ab = jnp.full((LANES,), pv[4])
                zeros = jnp.zeros((LANES,), jnp.float32)

                def overlap(base):
                    y1j = sy1[pl.ds(base, LANES)]
                    x1j = sx1[pl.ds(base, LANES)]
                    y2j = sy2[pl.ds(base, LANES)]
                    x2j = sx2[pl.ds(base, LANES)]
                    aj = (y2j - y1j) * (x2j - x1j)
                    ih = jnp.maximum(
                        jnp.minimum(y2b, y2j) - jnp.maximum(y1b, y1j), 0.0)
                    iw = jnp.maximum(
                        jnp.minimum(x2b, x2j) - jnp.maximum(x1b, x1j), 0.0)
                    inter = ih * iw
                    return 3.0 * inter > ab + aj

                jb0 = i // LANES
                hbase = jb0 * LANES
                hidx = lanes + jnp.full((LANES,), hbase)
                hsup = overlap(hbase) & (hidx > jnp.full((LANES,), i))
                plsc.store_scatter(skeep, [hidx], zeros, mask=hsup)

                @plsc.parallel_loop(jb0 + 1, mv, step=1, unroll=UNROLL)
                def _jloop(jb):
                    base = jb * LANES
                    sup = overlap(base)
                    plsc.store_scatter(
                        skeep, [lanes + jnp.full((LANES,), base)],
                        zeros, mask=sup)

            return carry

        lax.fori_loop(0, m, i_body, jnp.int32(0))

        def scat_body(k, c):
            base = k * LANES
            idx = sord[pl.ds(base, LANES)]
            plsc.store_scatter(korig, [idx], skeep[pl.ds(base, LANES)])
            return c

        lax.fori_loop(0, NV, scat_body, jnp.int32(0))

        lblv = (cls - 1).astype(jnp.float32)

        def out_body(k, c):
            base = k * LANES
            kf = korig[pl.ds(base, LANES)]
            flat = (lanes + jnp.full((LANES,), base)) * 4
            plsc.store_scatter(obx, [flat], cy1[pl.ds(base, LANES)] * kf)
            plsc.store_scatter(obx, [flat + 1], cx1[pl.ds(base, LANES)] * kf)
            plsc.store_scatter(obx, [flat + 2], cy2[pl.ds(base, LANES)] * kf)
            plsc.store_scatter(obx, [flat + 3], cx2[pl.ds(base, LANES)] * kf)
            ols[pl.ds(base, LANES)] = kf * jnp.full((LANES,), lblv)
            oss[pl.ds(base, LANES)] = kf * ps[pl.ds(base, LANES)]
            return c

        lax.fori_loop(0, NV, out_body, jnp.int32(0))

        pltpu.sync_copy(obx.at[pl.ds(0, N * 4)],
                        obox.at[pl.ds(wid * N * 4, N * 4)])
        pltpu.sync_copy(ols.at[pl.ds(0, N)], olab.at[pl.ds(wid * N, N)])
        pltpu.sync_copy(oss.at[pl.ds(0, N)], osco.at[pl.ds(wid * N, N)])


@jax.jit
def _nms_call(comp, probs, order):
    mesh = plsc.VectorSubcoreMesh(
        core_axis_name="c", subcore_axis_name="s",
        num_cores=2, num_subcores=16)
    f32 = jnp.float32
    kern = pl.kernel(
        _nms_body,
        out_type=(
            jax.ShapeDtypeStruct((NOUT * N * 4,), f32),
            jax.ShapeDtypeStruct((NOUT * N,), f32),
            jax.ShapeDtypeStruct((NOUT * N,), f32),
        ),
        mesh=mesh,
        scratch_types=[
            pltpu.VMEM((NPAD,), f32),
            pltpu.VMEM((NPAD,), f32),
            pltpu.VMEM((NPAD,), f32),
            pltpu.VMEM((NPAD,), f32),
            pltpu.VMEM((NPAD,), f32),
            pltpu.VMEM((NPAD,), jnp.int32),
            pltpu.VMEM((NPAD,), f32),
            pltpu.VMEM((NPAD,), f32),
            pltpu.VMEM((NPAD,), f32),
            pltpu.VMEM((NPAD,), f32),
            pltpu.VMEM((NPAD * 5,), f32),
            pltpu.VMEM((NPAD,), f32),
            pltpu.VMEM((NPAD,), f32),
            pltpu.VMEM((NPAD * 4,), f32),
            pltpu.VMEM((NPAD,), f32),
            pltpu.VMEM((NPAD,), f32),
        ],
        compiler_params=pltpu.CompilerParams(needs_layout_passes=False),
        name="sc_nms",
    )
    return kern(comp, probs, order)


def kernel(raw_boxes, raw_probs):
    boxes = raw_boxes.reshape(N, NCLS, 4)
    comp = jnp.transpose(boxes, (1, 2, 0))
    comp = jnp.pad(comp, ((0, 0), (0, 0), (0, NPAD - N)))
    probs = jnp.pad(raw_probs, ((0, 0), (0, NPAD - N)))
    order = jnp.argsort(-probs[1:], axis=1).astype(jnp.int32)
    bflat, labels, scores = _nms_call(comp, probs, order)
    return bflat.reshape(NOUT * N, 4), labels, scores

# --- scband reference (transcript-rebuilt; emitter-appended) ---
"""Pipeline reference for scband-faster-rcnn-86835648791315 (READ-ONLY COPY).

The authoritative reference and input builder live on the scoring server;
editing this copy changes nothing except your own understanding.
"""

import jax, jax.numpy as jnp
import numpy as np

N_ROIS = 5000
N_CLASS = 21
IMG = 512.0


def setup_inputs(seed: int = 0) -> dict:
    key = jax.random.key(seed)
    k1, k2, k3 = jax.random.split(key, 3)
    # valid (y1, x1, y2, x2) boxes inside a 512x512 image, one box per class per roi
    tl = jax.random.uniform(k1, (N_ROIS, N_CLASS, 2), dtype=jnp.float32) * 448.0
    wh = 8.0 + jax.random.uniform(k2, (N_ROIS, N_CLASS, 2), dtype=jnp.float32) * 80.0
    br = jnp.minimum(tl + wh, IMG)
    raw_boxes = jnp.concatenate([tl, br], axis=-1).reshape(N_ROIS, N_CLASS * 4)
    raw_probs = jax.random.uniform(k3, (N_CLASS, N_ROIS), dtype=jnp.float32)
    return {"raw_boxes": raw_boxes, "raw_probs": raw_probs}


def _pairwise_iou(b):
    y1, x1, y2, x2 = b[:, 0], b[:, 1], b[:, 2], b[:, 3]
    area = (y2 - y1) * (x2 - x1)
    iy1 = jnp.maximum(y1[:, None], y1[None, :])
    ix1 = jnp.maximum(x1[:, None], x1[None, :])
    iy2 = jnp.minimum(y2[:, None], y2[None, :])
    ix2 = jnp.minimum(x2[:, None], x2[None, :])
    ih = jnp.clip(iy2 - iy1, 0.0)
    iw = jnp.clip(ix2 - ix1, 0.0)
    inter = ih * iw
    union = area[:, None] + area[None, :] - inter
    return inter / jnp.maximum(union, 1e-12)


@jax.jit
def _nms_keep(boxes, scores, iou_thresh=0.5, score_thresh=0.5):
    # Greedy NMS returning a static-shape boolean keep mask in ORIGINAL order.
    n = boxes.shape[0]
    order = jnp.argsort(-scores)
    b = boxes[order]
    s = scores[order]
    iou = _pairwise_iou(b)
    valid = s > score_thresh  # `cls_probs > 0.5` pre-filter from suppress()
    idx = jnp.arange(n)

    def body(i, keep):
        sup = (iou[i] > iou_thresh) & (idx > i) & keep[i]
        return keep & (~sup)

    keep_sorted = jax.lax.fori_loop(0, n, body, valid)
    return jnp.zeros((n,), dtype=bool).at[order].set(keep_sorted)


def reference(raw_boxes, raw_probs):
    # Faithful translation of FasterRCNN.suppress(): per-class score threshold 0.5,
    # greedy NMS with IoU threshold 0.5, labels = class_idx - 1.
    # Dynamic boolean compaction (cls_boxes[mask]) is replaced by static-shape
    # masking (multiply by keep), so suppressed rows are zeroed instead of dropped.
    n_class = raw_probs.shape[0]
    boxes_by_class = raw_boxes.reshape(-1, n_class, 4)
    boxes_o, labels_o, scores_o = [], [], []
    for i in range(1, n_class):
        cls_boxes = boxes_by_class[:, i]
        cls_probs = raw_probs[i]
        keep = _nms_keep(cls_boxes, cls_probs)
        kf = keep.astype(jnp.float32)
        boxes_o.append(cls_boxes * kf[:, None])
        labels_o.append((i - 1) * kf)
        scores_o.append(cls_probs * kf)
    boxes = jnp.concatenate(boxes_o, axis=0)
    labels = jnp.concatenate(labels_o, axis=0)
    scores = jnp.concatenate(scores_o, axis=0)
    return (boxes, labels, scores)

if __name__ == "__main__":
    import jax
    _d = setup_inputs()
    print(jax.jit(kernel)(*tuple(_d.values())))

</pallas_src>

<mosaic_0001>
#map = affine_map<(d0, d1) -> (0, 0, 0)>
#map1 = affine_map<(d0, d1) -> (0, 0)>
#map2 = affine_map<(d0, d1) -> (0)>
module attributes {stable_mosaic.version = 14 : i64} {
  func.func @sc_nms(%arg0: i32, %arg1: i32, %arg2: memref<21x4x5072xf32, #tpu.memory_space<hbm>>, %arg3: memref<21x5072xf32, #tpu.memory_space<hbm>>, %arg4: memref<20x5072xi32, #tpu.memory_space<hbm>>, %arg5: memref<400000xf32, #tpu.memory_space<hbm>>, %arg6: memref<100000xf32, #tpu.memory_space<hbm>>, %arg7: memref<100000xf32, #tpu.memory_space<hbm>>, %arg8: memref<5072xf32, #tpu.memory_space<vmem>>, %arg9: memref<5072xf32, #tpu.memory_space<vmem>>, %arg10: memref<5072xf32, #tpu.memory_space<vmem>>, %arg11: memref<5072xf32, #tpu.memory_space<vmem>>, %arg12: memref<5072xf32, #tpu.memory_space<vmem>>, %arg13: memref<5072xi32, #tpu.memory_space<vmem>>, %arg14: memref<5072xf32, #tpu.memory_space<vmem>>, %arg15: memref<5072xf32, #tpu.memory_space<vmem>>, %arg16: memref<5072xf32, #tpu.memory_space<vmem>>, %arg17: memref<5072xf32, #tpu.memory_space<vmem>>, %arg18: memref<25360xf32, #tpu.memory_space<vmem>>, %arg19: memref<5072xf32, #tpu.memory_space<vmem>>, %arg20: memref<5072xf32, #tpu.memory_space<vmem>>, %arg21: memref<20288xf32, #tpu.memory_space<vmem>>, %arg22: memref<5072xf32, #tpu.memory_space<vmem>>, %arg23: memref<5072xf32, #tpu.memory_space<vmem>>) attributes {dimension_semantics = [#tpu.dimension_semantics<core_parallel>, #tpu.dimension_semantics<subcore_parallel>], iteration_bounds = array<i64: 2, 16>, scalar_prefetch = 0 : i64, scratch_operands = 16 : i64, tpu.core_type = #tpu.core_type<sc_vector_subcore>, window_params = [{transform_indices = #map}, {transform_indices = #map1}, {transform_indices = #map1}, {transform_indices = #map2}, {transform_indices = #map2}, {transform_indices = #map2}]} {
    %mul3A = arith.constant 2 : i32
    %mul3A_0 = arith.muli %arg1, %mul3A : i32
    %add3A = arith.addi %mul3A_0, %arg0 : i32
    %lt3A = arith.constant 20 : i32
    %lt3A_1 = arith.cmpi slt, %add3A, %lt3A : i32
    %convert_element_type3A = arith.extui %lt3A_1 : i1 to i32
    %cond3A = arith.constant 0 : i32
    %cond3A_2 = arith.cmpi ne, %convert_element_type3A, %cond3A : i32
    scf.if %cond3A_2 {
      %add3A_3 = arith.constant 1 : i32
      %add3A_4 = arith.addi %add3A, %add3A_3 : i32
      %iota3A = tpu.iota {dimensions = array<i32: 0>} : vector<16xi32>
      %run_scoped3A = arith.constant 0 : i32
      "tpu.region"() ({
        %run_scoped3A_66 = tpu.sem_alloc : memref<!tpu.dma_semaphore, #tpu.memory_space<semaphore_mem>>
        %dma_start3A = arith.constant 0 : i32
        %dma_start3A_67 = tpu.memref_slice %arg2[%add3A_4, %run_scoped3A, %dma_start3A] : memref<21x4x5072xf32, #tpu.memory_space<hbm>> -> memref<1x1x5072xf32, #tpu.memory_space<hbm>>
        %dma_start3A_68 = tpu.memref_squeeze %dma_start3A_67 : memref<1x1x5072xf32, #tpu.memory_space<hbm>> -> memref<5072xf32, #tpu.memory_space<hbm>>
        %dma_start3A_69 = arith.constant 0 : i32
        %dma_start3A_70 = tpu.memref_slice %arg2[%add3A_4, %run_scoped3A, %dma_start3A_69] : memref<21x4x5072xf32, #tpu.memory_space<hbm>> -> memref<1x1x5072xf32, #tpu.memory_space<hbm>>
        %dma_start3A_71 = tpu.memref_squeeze %dma_start3A_70 : memref<1x1x5072xf32, #tpu.memory_space<hbm>> -> memref<5072xf32, #tpu.memory_space<hbm>>
        tpu.enqueue_dma source(%dma_start3A_71 : memref<5072xf32, #tpu.memory_space<hbm>>) target(%arg8 : memref<5072xf32, #tpu.memory_space<vmem>>) target_semaphore(%run_scoped3A_66 : memref<!tpu.dma_semaphore, #tpu.memory_space<semaphore_mem>>)
        %dma_wait3A = arith.constant 0 : i32
        %dma_wait3A_72 = tpu.memref_slice %arg2[%add3A_4, %run_scoped3A, %dma_wait3A] : memref<21x4x5072xf32, #tpu.memory_space<hbm>> -> memref<1x1x5072xf32, #tpu.memory_space<hbm>>
        %dma_wait3A_73 = tpu.memref_squeeze %dma_wait3A_72 : memref<1x1x5072xf32, #tpu.memory_space<hbm>> -> memref<5072xf32, #tpu.memory_space<hbm>>
        %dma_wait3A_74 = arith.constant 0 : i32
        %dma_wait3A_75 = tpu.memref_slice %arg2[%add3A_4, %run_scoped3A, %dma_wait3A_74] : memref<21x4x5072xf32, #tpu.memory_space<hbm>> -> memref<1x1x5072xf32, #tpu.memory_space<hbm>>
        %dma_wait3A_76 = tpu.memref_squeeze %dma_wait3A_75 : memref<1x1x5072xf32, #tpu.memory_space<hbm>> -> memref<5072xf32, #tpu.memory_space<hbm>>
        tpu.wait_dma2 semaphore(%run_scoped3A_66 : memref<!tpu.dma_semaphore, #tpu.memory_space<semaphore_mem>>) src(%dma_wait3A_76 : memref<5072xf32, #tpu.memory_space<hbm>>) dst(%arg8 : memref<5072xf32, #tpu.memory_space<vmem>>)
        tpu.yield
      }) : () -> ()
      %run_scoped3A_5 = arith.constant 1 : i32
      "tpu.region"() ({
        %run_scoped3A_66 = tpu.sem_alloc : memref<!tpu.dma_semaphore, #tpu.memory_space<semaphore_mem>>
        %dma_start3A = arith.constant 0 : i32
        %dma_start3A_67 = tpu.memref_slice %arg2[%add3A_4, %run_scoped3A_5, %dma_start3A] : memref<21x4x5072xf32, #tpu.memory_space<hbm>> -> memref<1x1x5072xf32, #tpu.memory_space<hbm>>
        %dma_start3A_68 = tpu.memref_squeeze %dma_start3A_67 : memref<1x1x5072xf32, #tpu.memory_space<hbm>> -> memref<5072xf32, #tpu.memory_space<hbm>>
        %dma_start3A_69 = arith.constant 0 : i32
        %dma_start3A_70 = tpu.memref_slice %arg2[%add3A_4, %run_scoped3A_5, %dma_start3A_69] : memref<21x4x5072xf32, #tpu.memory_space<hbm>> -> memref<1x1x5072xf32, #tpu.memory_space<hbm>>
        %dma_start3A_71 = tpu.memref_squeeze %dma_start3A_70 : memref<1x1x5072xf32, #tpu.memory_space<hbm>> -> memref<5072xf32, #tpu.memory_space<hbm>>
        tpu.enqueue_dma source(%dma_start3A_71 : memref<5072xf32, #tpu.memory_space<hbm>>) target(%arg9 : memref<5072xf32, #tpu.memory_space<vmem>>) target_semaphore(%run_scoped3A_66 : memref<!tpu.dma_semaphore, #tpu.memory_space<semaphore_mem>>)
        %dma_wait3A = arith.constant 0 : i32
        %dma_wait3A_72 = tpu.memref_slice %arg2[%add3A_4, %run_scoped3A_5, %dma_wait3A] : memref<21x4x5072xf32, #tpu.memory_space<hbm>> -> memref<1x1x5072xf32, #tpu.memory_space<hbm>>
        %dma_wait3A_73 = tpu.memref_squeeze %dma_wait3A_72 : memref<1x1x5072xf32, #tpu.memory_space<hbm>> -> memref<5072xf32, #tpu.memory_space<hbm>>
        %dma_wait3A_74 = arith.constant 0 : i32
        %dma_wait3A_75 = tpu.memref_slice %arg2[%add3A_4, %run_scoped3A_5, %dma_wait3A_74] : memref<21x4x5072xf32, #tpu.memory_space<hbm>> -> memref<1x1x5072xf32, #tpu.memory_space<hbm>>
        %dma_wait3A_76 = tpu.memref_squeeze %dma_wait3A_75 : memref<1x1x5072xf32, #tpu.memory_space<hbm>> -> memref<5072xf32, #tpu.memory_space<hbm>>
        tpu.wait_dma2 semaphore(%run_scoped3A_66 : memref<!tpu.dma_semaphore, #tpu.memory_space<semaphore_mem>>) src(%dma_wait3A_76 : memref<5072xf32, #tpu.memory_space<hbm>>) dst(%arg9 : memref<5072xf32, #tpu.memory_space<vmem>>)
        tpu.yield
      }) : () -> ()
      %run_scoped3A_6 = arith.constant 2 : i32
      "tpu.region"() ({
        %run_scoped3A_66 = tpu.sem_alloc : memref<!tpu.dma_semaphore, #tpu.memory_space<semaphore_mem>>
        %dma_start3A = arith.constant 0 : i32
        %dma_start3A_67 = tpu.memref_slice %arg2[%add3A_4, %run_scoped3A_6, %dma_start3A] : memref<21x4x5072xf32, #tpu.memory_space<hbm>> -> memref<1x1x5072xf32, #tpu.memory_space<hbm>>
        %dma_start3A_68 = tpu.memref_squeeze %dma_start3A_67 : memref<1x1x5072xf32, #tpu.memory_space<hbm>> -> memref<5072xf32, #tpu.memory_space<hbm>>
        %dma_start3A_69 = arith.constant 0 : i32
        %dma_start3A_70 = tpu.memref_slice %arg2[%add3A_4, %run_scoped3A_6, %dma_start3A_69] : memref<21x4x5072xf32, #tpu.memory_space<hbm>> -> memref<1x1x5072xf32, #tpu.memory_space<hbm>>
        %dma_start3A_71 = tpu.memref_squeeze %dma_start3A_70 : memref<1x1x5072xf32, #tpu.memory_space<hbm>> -> memref<5072xf32, #tpu.memory_space<hbm>>
        tpu.enqueue_dma source(%dma_start3A_71 : memref<5072xf32, #tpu.memory_space<hbm>>) target(%arg10 : memref<5072xf32, #tpu.memory_space<vmem>>) target_semaphore(%run_scoped3A_66 : memref<!tpu.dma_semaphore, #tpu.memory_space<semaphore_mem>>)
        %dma_wait3A = arith.constant 0 : i32
        %dma_wait3A_72 = tpu.memref_slice %arg2[%add3A_4, %run_scoped3A_6, %dma_wait3A] : memref<21x4x5072xf32, #tpu.memory_space<hbm>> -> memref<1x1x5072xf32, #tpu.memory_space<hbm>>
        %dma_wait3A_73 = tpu.memref_squeeze %dma_wait3A_72 : memref<1x1x5072xf32, #tpu.memory_space<hbm>> -> memref<5072xf32, #tpu.memory_space<hbm>>
        %dma_wait3A_74 = arith.constant 0 : i32
        %dma_wait3A_75 = tpu.memref_slice %arg2[%add3A_4, %run_scoped3A_6, %dma_wait3A_74] : memref<21x4x5072xf32, #tpu.memory_space<hbm>> -> memref<1x1x5072xf32, #tpu.memory_space<hbm>>
        %dma_wait3A_76 = tpu.memref_squeeze %dma_wait3A_75 : memref<1x1x5072xf32, #tpu.memory_space<hbm>> -> memref<5072xf32, #tpu.memory_space<hbm>>
        tpu.wait_dma2 semaphore(%run_scoped3A_66 : memref<!tpu.dma_semaphore, #tpu.memory_space<semaphore_mem>>) src(%dma_wait3A_76 : memref<5072xf32, #tpu.memory_space<hbm>>) dst(%arg10 : memref<5072xf32, #tpu.memory_space<vmem>>)
        tpu.yield
      }) : () -> ()
      %run_scoped3A_7 = arith.constant 3 : i32
      "tpu.region"() ({
        %run_scoped3A_66 = tpu.sem_alloc : memref<!tpu.dma_semaphore, #tpu.memory_space<semaphore_mem>>
        %dma_start3A = arith.constant 0 : i32
        %dma_start3A_67 = tpu.memref_slice %arg2[%add3A_4, %run_scoped3A_7, %dma_start3A] : memref<21x4x5072xf32, #tpu.memory_space<hbm>> -> memref<1x1x5072xf32, #tpu.memory_space<hbm>>
        %dma_start3A_68 = tpu.memref_squeeze %dma_start3A_67 : memref<1x1x5072xf32, #tpu.memory_space<hbm>> -> memref<5072xf32, #tpu.memory_space<hbm>>
        %dma_start3A_69 = arith.constant 0 : i32
        %dma_start3A_70 = tpu.memref_slice %arg2[%add3A_4, %run_scoped3A_7, %dma_start3A_69] : memref<21x4x5072xf32, #tpu.memory_space<hbm>> -> memref<1x1x5072xf32, #tpu.memory_space<hbm>>
        %dma_start3A_71 = tpu.memref_squeeze %dma_start3A_70 : memref<1x1x5072xf32, #tpu.memory_space<hbm>> -> memref<5072xf32, #tpu.memory_space<hbm>>
        tpu.enqueue_dma source(%dma_start3A_71 : memref<5072xf32, #tpu.memory_space<hbm>>) target(%arg11 : memref<5072xf32, #tpu.memory_space<vmem>>) target_semaphore(%run_scoped3A_66 : memref<!tpu.dma_semaphore, #tpu.memory_space<semaphore_mem>>)
        %dma_wait3A = arith.constant 0 : i32
        %dma_wait3A_72 = tpu.memref_slice %arg2[%add3A_4, %run_scoped3A_7, %dma_wait3A] : memref<21x4x5072xf32, #tpu.memory_space<hbm>> -> memref<1x1x5072xf32, #tpu.memory_space<hbm>>
        %dma_wait3A_73 = tpu.memref_squeeze %dma_wait3A_72 : memref<1x1x5072xf32, #tpu.memory_space<hbm>> -> memref<5072xf32, #tpu.memory_space<hbm>>
        %dma_wait3A_74 = arith.constant 0 : i32
        %dma_wait3A_75 = tpu.memref_slice %arg2[%add3A_4, %run_scoped3A_7, %dma_wait3A_74] : memref<21x4x5072xf32, #tpu.memory_space<hbm>> -> memref<1x1x5072xf32, #tpu.memory_space<hbm>>
        %dma_wait3A_76 = tpu.memref_squeeze %dma_wait3A_75 : memref<1x1x5072xf32, #tpu.memory_space<hbm>> -> memref<5072xf32, #tpu.memory_space<hbm>>
        tpu.wait_dma2 semaphore(%run_scoped3A_66 : memref<!tpu.dma_semaphore, #tpu.memory_space<semaphore_mem>>) src(%dma_wait3A_76 : memref<5072xf32, #tpu.memory_space<hbm>>) dst(%arg11 : memref<5072xf32, #tpu.memory_space<vmem>>)
        tpu.yield
      }) : () -> ()
      "tpu.region"() ({
        %run_scoped3A_66 = tpu.sem_alloc : memref<!tpu.dma_semaphore, #tpu.memory_space<semaphore_mem>>
        %dma_start3A = arith.constant 0 : i32
        %dma_start3A_67 = tpu.memref_slice %arg3[%add3A_4, %dma_start3A] : memref<21x5072xf32, #tpu.memory_space<hbm>> -> memref<1x5072xf32, #tpu.memory_space<hbm>>
        %dma_start3A_68 = tpu.memref_squeeze %dma_start3A_67 : memref<1x5072xf32, #tpu.memory_space<hbm>> -> memref<5072xf32, #tpu.memory_space<hbm>>
        %dma_start3A_69 = arith.constant 0 : i32
        %dma_start3A_70 = tpu.memref_slice %arg3[%add3A_4, %dma_start3A_69] : memref<21x5072xf32, #tpu.memory_space<hbm>> -> memref<1x5072xf32, #tpu.memory_space<hbm>>
        %dma_start3A_71 = tpu.memref_squeeze %dma_start3A_70 : memref<1x5072xf32, #tpu.memory_space<hbm>> -> memref<5072xf32, #tpu.memory_space<hbm>>
        tpu.enqueue_dma source(%dma_start3A_71 : memref<5072xf32, #tpu.memory_space<hbm>>) target(%arg12 : memref<5072xf32, #tpu.memory_space<vmem>>) target_semaphore(%run_scoped3A_66 : memref<!tpu.dma_semaphore, #tpu.memory_space<semaphore_mem>>)
        %dma_wait3A = arith.constant 0 : i32
        %dma_wait3A_72 = tpu.memref_slice %arg3[%add3A_4, %dma_wait3A] : memref<21x5072xf32, #tpu.memory_space<hbm>> -> memref<1x5072xf32, #tpu.memory_space<hbm>>
        %dma_wait3A_73 = tpu.memref_squeeze %dma_wait3A_72 : memref<1x5072xf32, #tpu.memory_space<hbm>> -> memref<5072xf32, #tpu.memory_space<hbm>>
        %dma_wait3A_74 = arith.constant 0 : i32
        %dma_wait3A_75 = tpu.memref_slice %arg3[%add3A_4, %dma_wait3A_74] : memref<21x5072xf32, #tpu.memory_space<hbm>> -> memref<1x5072xf32, #tpu.memory_space<hbm>>
        %dma_wait3A_76 = tpu.memref_squeeze %dma_wait3A_75 : memref<1x5072xf32, #tpu.memory_space<hbm>> -> memref<5072xf32, #tpu.memory_space<hbm>>
        tpu.wait_dma2 semaphore(%run_scoped3A_66 : memref<!tpu.dma_semaphore, #tpu.memory_space<semaphore_mem>>) src(%dma_wait3A_76 : memref<5072xf32, #tpu.memory_space<hbm>>) dst(%arg12 : memref<5072xf32, #tpu.memory_space<vmem>>)
        tpu.yield
      }) : () -> ()
      "tpu.region"() ({
        %run_scoped3A_66 = tpu.sem_alloc : memref<!tpu.dma_semaphore, #tpu.memory_space<semaphore_mem>>
        %dma_start3A = arith.constant 0 : i32
        %dma_start3A_67 = tpu.memref_slice %arg4[%add3A, %dma_start3A] : memref<20x5072xi32, #tpu.memory_space<hbm>> -> memref<1x5072xi32, #tpu.memory_space<hbm>>
        %dma_start3A_68 = tpu.memref_squeeze %dma_start3A_67 : memref<1x5072xi32, #tpu.memory_space<hbm>> -> memref<5072xi32, #tpu.memory_space<hbm>>
        %dma_start3A_69 = arith.constant 0 : i32
        %dma_start3A_70 = tpu.memref_slice %arg4[%add3A, %dma_start3A_69] : memref<20x5072xi32, #tpu.memory_space<hbm>> -> memref<1x5072xi32, #tpu.memory_space<hbm>>
        %dma_start3A_71 = tpu.memref_squeeze %dma_start3A_70 : memref<1x5072xi32, #tpu.memory_space<hbm>> -> memref<5072xi32, #tpu.memory_space<hbm>>
        tpu.enqueue_dma source(%dma_start3A_71 : memref<5072xi32, #tpu.memory_space<hbm>>) target(%arg13 : memref<5072xi32, #tpu.memory_space<vmem>>) target_semaphore(%run_scoped3A_66 : memref<!tpu.dma_semaphore, #tpu.memory_space<semaphore_mem>>)
        %dma_wait3A = arith.constant 0 : i32
        %dma_wait3A_72 = tpu.memref_slice %arg4[%add3A, %dma_wait3A] : memref<20x5072xi32, #tpu.memory_space<hbm>> -> memref<1x5072xi32, #tpu.memory_space<hbm>>
        %dma_wait3A_73 = tpu.memref_squeeze %dma_wait3A_72 : memref<1x5072xi32, #tpu.memory_space<hbm>> -> memref<5072xi32, #tpu.memory_space<hbm>>
        %dma_wait3A_74 = arith.constant 0 : i32
        %dma_wait3A_75 = tpu.memref_slice %arg4[%add3A, %dma_wait3A_74] : memref<20x5072xi32, #tpu.memory_space<hbm>> -> memref<1x5072xi32, #tpu.memory_space<hbm>>
        %dma_wait3A_76 = tpu.memref_squeeze %dma_wait3A_75 : memref<1x5072xi32, #tpu.memory_space<hbm>> -> memref<5072xi32, #tpu.memory_space<hbm>>
        tpu.wait_dma2 semaphore(%run_scoped3A_66 : memref<!tpu.dma_semaphore, #tpu.memory_space<semaphore_mem>>) src(%dma_wait3A_76 : memref<5072xi32, #tpu.memory_space<hbm>>) dst(%arg13 : memref<5072xi32, #tpu.memory_space<vmem>>)
        tpu.yield
      }) : () -> ()
      %scan3A = arith.constant 0 : i32
      %scan3A_8 = arith.constant 0 : i32
      %scan3A_9 = arith.constant 317 : i32
      %scan3A_10 = arith.addi %scan3A_8, %scan3A_9 : i32
      %scan3A_11 = arith.constant 1 : i32
      %scan3A_12 = scf.for %scan3A_66 = %scan3A_8 to %scan3A_10 step %scan3A_11 iter_args(%scan3A_67 = %scan3A) -> (i32)  : i32 {
        %mul3A_68 = arith.constant 16 : i32
        %mul3A_69 = arith.muli %scan3A_66, %mul3A_68 : i32
        %get3A = arith.index_cast %mul3A_69 : i32 to index
        %get3A_70 = tpu.vector_load %arg13[%get3A] {strides = array<i32>} : memref<5072xi32, #tpu.memory_space<vmem>>, vector<16xi32>,
        %gather3A = tpu.vector_load_idx %arg12[%get3A_70] : memref<5072xf32, #tpu.memory_space<vmem>>[vector<16xi32>], vector<16xf32>,
        %gather3A_71 = tpu.vector_load_idx %arg8[%get3A_70] : memref<5072xf32, #tpu.memory_space<vmem>>[vector<16xi32>], vector<16xf32>,
        %gather3A_72 = tpu.vector_load_idx %arg9[%get3A_70] : memref<5072xf32, #tpu.memory_space<vmem>>[vector<16xi32>], vector<16xf32>,
        %gather3A_73 = tpu.vector_load_idx %arg10[%get3A_70] : memref<5072xf32, #tpu.memory_space<vmem>>[vector<16xi32>], vector<16xf32>,
        %gather3A_74 = tpu.vector_load_idx %arg11[%get3A_70] : memref<5072xf32, #tpu.memory_space<vmem>>[vector<16xi32>], vector<16xf32>,
        %swap3A = arith.index_cast %mul3A_69 : i32 to index
        %swap3A_75 = tpu.vector_load %arg14[%swap3A] {strides = array<i32>} : memref<5072xf32, #tpu.memory_space<vmem>>, vector<16xf32>,
        tpu.vector_store %arg14[%swap3A], %gather3A_71 {strides = array<i32>} : memref<5072xf32, #tpu.memory_space<vmem>>, vector<16xf32>,
        %swap3A_76 = arith.index_cast %mul3A_69 : i32 to index
        %swap3A_77 = tpu.vector_load %arg15[%swap3A_76] {strides = array<i32>} : memref<5072xf32, #tpu.memory_space<vmem>>, vector<16xf32>,
        tpu.vector_store %arg15[%swap3A_76], %gather3A_72 {strides = array<i32>} : memref<5072xf32, #tpu.memory_space<vmem>>, vector<16xf32>,
        %swap3A_78 = arith.index_cast %mul3A_69 : i32 to index
        %swap3A_79 = tpu.vector_load %arg16[%swap3A_78] {strides = array<i32>} : memref<5072xf32, #tpu.memory_space<vmem>>, vector<16xf32>,
        tpu.vector_store %arg16[%swap3A_78], %gather3A_73 {strides = array<i32>} : memref<5072xf32, #tpu.memory_space<vmem>>, vector<16xf32>,
        %swap3A_80 = arith.index_cast %mul3A_69 : i32 to index
        %swap3A_81 = tpu.vector_load %arg17[%swap3A_80] {strides = array<i32>} : memref<5072xf32, #tpu.memory_space<vmem>>, vector<16xf32>,
        tpu.vector_store %arg17[%swap3A_80], %gather3A_74 {strides = array<i32>} : memref<5072xf32, #tpu.memory_space<vmem>>, vector<16xf32>,
        %broadcast_in_dim3A = vector.broadcast %mul3A_69 : i32 to vector<16xi32>
        %add3A_82 = arith.addi %iota3A, %broadcast_in_dim3A : vector<16xi32>
        %mul3A_83 = arith.constant 5 : i32
        %mul3A_84 = vector.broadcast %mul3A_83 : i32 to vector<16xi32>
        %mul3A_85 = arith.muli %add3A_82, %mul3A_84 : vector<16xi32>
        tpu.vector_store_idx %arg18[%mul3A_85], %gather3A_71 : memref<25360xf32, #tpu.memory_space<vmem>>[vector<16xi32>], vector<16xf32>,
        %add3A_86 = arith.constant 1 : i32
        %add3A_87 = vector.broadcast %add3A_86 : i32 to vector<16xi32>
        %add3A_88 = arith.addi %mul3A_85, %add3A_87 : vector<16xi32>
        tpu.vector_store_idx %arg18[%add3A_88], %gather3A_72 : memref<25360xf32, #tpu.memory_space<vmem>>[vector<16xi32>], vector<16xf32>,
        %add3A_89 = arith.constant 2 : i32
        %add3A_90 = vector.broadcast %add3A_89 : i32 to vector<16xi32>
        %add3A_91 = arith.addi %mul3A_85, %add3A_90 : vector<16xi32>
        tpu.vector_store_idx %arg18[%add3A_91], %gather3A_73 : memref<25360xf32, #tpu.memory_space<vmem>>[vector<16xi32>], vector<16xf32>,
        %add3A_92 = arith.constant 3 : i32
        %add3A_93 = vector.broadcast %add3A_92 : i32 to vector<16xi32>
        %add3A_94 = arith.addi %mul3A_85, %add3A_93 : vector<16xi32>
        tpu.vector_store_idx %arg18[%add3A_94], %gather3A_74 : memref<25360xf32, #tpu.memory_space<vmem>>[vector<16xi32>], vector<16xf32>,
        %add3A_95 = arith.constant 4 : i32
        %add3A_96 = vector.broadcast %add3A_95 : i32 to vector<16xi32>
        %add3A_97 = arith.addi %mul3A_85, %add3A_96 : vector<16xi32>
        %sub3A_98 = arith.subf %gather3A_73, %gather3A_71 : vector<16xf32>
        %sub3A_99 = arith.subf %gather3A_74, %gather3A_72 : vector<16xf32>
        %mul3A_100 = arith.mulf %sub3A_98, %sub3A_99 : vector<16xf32>
        tpu.vector_store_idx %arg18[%add3A_97], %mul3A_100 : memref<25360xf32, #tpu.memory_space<vmem>>[vector<16xi32>], vector<16xf32>,
        %gt3A = arith.constant 5.000000e-01 : f32
        %gt3A_101 = vector.broadcast %gt3A : f32 to vector<16xf32>
        %gt3A_102 = arith.cmpf ogt, %gather3A, %gt3A_101 : vector<16xf32>
        %jit3A_103 = arith.constant 1.000000e+00 : f32
        %jit3A_104 = arith.constant 0.000000e+00 : f32
        %broadcast_in_dim3A_105 = vector.broadcast %jit3A_103 : f32 to vector<16xf32>
        %broadcast_in_dim3A_106 = vector.broadcast %jit3A_104 : f32 to vector<16xf32>
        %select_n3A_107 = arith.select %gt3A_102, %broadcast_in_dim3A_105, %broadcast_in_dim3A_106 : vector<16xi1>, vector<16xf32>
        %swap3A_108 = arith.index_cast %mul3A_69 : i32 to index
        %swap3A_109 = tpu.vector_load %arg19[%swap3A_108] {strides = array<i32>} : memref<5072xf32, #tpu.memory_space<vmem>>, vector<16xf32>,
        tpu.vector_store %arg19[%swap3A_108], %select_n3A_107 {strides = array<i32>} : memref<5072xf32, #tpu.memory_space<vmem>>, vector<16xf32>,
        %convert_element_type3A_110 = arith.extui %gt3A_102 : vector<16xi1> to vector<16xi32>
        %reduce_sum3A = arith.constant true
        %reduce_sum3A_111 = vector.broadcast %reduce_sum3A : i1 to vector<16xi1>
        %reduce_sum3A_112 = tpu.scan <sum>, %convert_element_type3A_110 masked %reduce_sum3A_111 : vector<16xi32>, vector<16xi1> -> vector<16xi32>
        %reduce_sum3A_113 = vector.extract %reduce_sum3A_112[15] : i32 from vector<16xi32>
        %add3A_114 = arith.addi %scan3A_67, %reduce_sum3A_113 : i32
        scf.yield %add3A_114 : i32
      }
      %scan3A_13 = arith.constant 317 : i32
      %add3A_14 = arith.constant 16 : i32
      %add3A_15 = arith.addi %scan3A_12, %add3A_14 : i32
      %sub3A = arith.constant 1 : i32
      %sub3A_16 = arith.subi %add3A_15, %sub3A : i32
      %jit3A = arith.constant 16 : i32
      %div3A = arith.divsi %sub3A_16, %jit3A : i32
      %sign3A = arith.constant 0 : i32
      %sign3A_17 = arith.cmpi sgt, %sub3A_16, %sign3A : i32
      %sign3A_18 = arith.extui %sign3A_17 : i1 to i32
      %sign3A_19 = arith.constant 0 : i32
      %sign3A_20 = arith.cmpi slt, %sub3A_16, %sign3A_19 : i32
      %sign3A_21 = arith.extui %sign3A_20 : i1 to i32
      %sign3A_22 = arith.subi %sign3A_18, %sign3A_21 : i32
      %sign3A_23 = arith.constant 0 : i32
      %sign3A_24 = arith.cmpi sgt, %jit3A, %sign3A_23 : i32
      %sign3A_25 = arith.extui %sign3A_24 : i1 to i32
      %sign3A_26 = arith.constant 0 : i32
      %sign3A_27 = arith.cmpi slt, %jit3A, %sign3A_26 : i32
      %sign3A_28 = arith.extui %sign3A_27 : i1 to i32
      %sign3A_29 = arith.subi %sign3A_25, %sign3A_28 : i32
      %ne3A = arith.cmpi ne, %sign3A_22, %sign3A_29 : i32
      %rem3A = arith.remsi %sub3A_16, %jit3A : i32
      %ne3A_30 = arith.constant 0 : i32
      %ne3A_31 = arith.cmpi ne, %rem3A, %ne3A_30 : i32
      %and3A = arith.andi %ne3A, %ne3A_31 : i1
      %sub3A_32 = arith.constant 1 : i32
      %sub3A_33 = arith.subi %div3A, %sub3A_32 : i32
      %select_n3A = arith.select %and3A, %sub3A_33, %div3A : i32
      %while3A = arith.constant 0 : i32
      %while3A_34 = arith.constant 0 : i32
      %while3A_35 = arith.subi %scan3A_12, %while3A_34 : i32
      %while3A_36 = arith.addi %while3A_34, %while3A_35 : i32
      %while3A_37 = arith.constant 1 : i32
      %while3A_38 = arith.divsi %while3A_35, %while3A_37 : i32
      %while3A_39 = arith.muli %while3A_38, %while3A_37 : i32
      %while3A_40 = arith.addi %while3A_34, %while3A_39 : i32
      %while3A_41 = arith.constant 1 : i32
      scf.for %while3A_66 = %while3A_34 to %while3A_40 step %while3A_41  : i32 {
        %get3A = arith.index_cast %while3A_66 : i32 to index
        %get3A_67 = tpu.vector_load %arg19[%get3A] {strides = array<i32>} : memref<5072xf32, #tpu.memory_space<vmem>>, vector<16xf32>,
        %slice3A = vector.extract_strided_slice %get3A_67 {offsets = [0], sizes = [1], strides = [1]} : vector<16xf32> to vector<1xf32>
        %squeeze3A = vector.extract %slice3A[0] : f32 from vector<1xf32>
        %gt3A = arith.constant 0.000000e+00 : f32
        %gt3A_68 = arith.cmpf ogt, %squeeze3A, %gt3A : f32
        %convert_element_type3A_69 = arith.extui %gt3A_68 : i1 to i32
        %cond3A_70 = arith.constant 0 : i32
        %cond3A_71 = arith.cmpi ne, %convert_element_type3A_69, %cond3A_70 : i32
        scf.if %cond3A_71 {
          %mul3A_72 = arith.constant 5 : i32
          %mul3A_73 = arith.muli %while3A_66, %mul3A_72 : i32
          %get3A_74 = arith.index_cast %mul3A_73 : i32 to index
          %get3A_75 = tpu.vector_load %arg18[%get3A_74] {strides = array<i32>} : memref<25360xf32, #tpu.memory_space<vmem>>, vector<16xf32>,
          %slice3A_76 = vector.extract_strided_slice %get3A_75 {offsets = [0], sizes = [1], strides = [1]} : vector<16xf32> to vector<1xf32>
          %squeeze3A_77 = vector.extract %slice3A_76[0] : f32 from vector<1xf32>
          %broadcast_in_dim3A = vector.broadcast %squeeze3A_77 : f32 to vector<16xf32>
          %slice3A_78 = vector.extract_strided_slice %get3A_75 {offsets = [1], sizes = [1], strides = [1]} : vector<16xf32> to vector<1xf32>
          %squeeze3A_79 = vector.extract %slice3A_78[0] : f32 from vector<1xf32>
          %broadcast_in_dim3A_80 = vector.broadcast %squeeze3A_79 : f32 to vector<16xf32>
          %slice3A_81 = vector.extract_strided_slice %get3A_75 {offsets = [2], sizes = [1], strides = [1]} : vector<16xf32> to vector<1xf32>
          %squeeze3A_82 = vector.extract %slice3A_81[0] : f32 from vector<1xf32>
          %broadcast_in_dim3A_83 = vector.broadcast %squeeze3A_82 : f32 to vector<16xf32>
          %slice3A_84 = vector.extract_strided_slice %get3A_75 {offsets = [3], sizes = [1], strides = [1]} : vector<16xf32> to vector<1xf32>
          %squeeze3A_85 = vector.extract %slice3A_84[0] : f32 from vector<1xf32>
          %broadcast_in_dim3A_86 = vector.broadcast %squeeze3A_85 : f32 to vector<16xf32>
          %slice3A_87 = vector.extract_strided_slice %get3A_75 {offsets = [4], sizes = [1], strides = [1]} : vector<16xf32> to vector<1xf32>
          %squeeze3A_88 = vector.extract %slice3A_87[0] : f32 from vector<1xf32>
          %broadcast_in_dim3A_89 = vector.broadcast %squeeze3A_88 : f32 to vector<16xf32>
          %broadcast_in_dim3A_90 = arith.constant 0.000000e+00 : f32
          %broadcast_in_dim3A_91 = vector.broadcast %broadcast_in_dim3A_90 : f32 to vector<16xf32>
          %jit3A_92 = arith.constant 16 : i32
          %div3A_93 = arith.divsi %while3A_66, %jit3A_92 : i32
          %sign3A_94 = arith.constant 0 : i32
          %sign3A_95 = arith.cmpi sgt, %while3A_66, %sign3A_94 : i32
          %sign3A_96 = arith.extui %sign3A_95 : i1 to i32
          %sign3A_97 = arith.constant 0 : i32
          %sign3A_98 = arith.cmpi slt, %while3A_66, %sign3A_97 : i32
          %sign3A_99 = arith.extui %sign3A_98 : i1 to i32
          %sign3A_100 = arith.subi %sign3A_96, %sign3A_99 : i32
          %sign3A_101 = arith.constant 0 : i32
          %sign3A_102 = arith.cmpi sgt, %jit3A_92, %sign3A_101 : i32
          %sign3A_103 = arith.extui %sign3A_102 : i1 to i32
          %sign3A_104 = arith.constant 0 : i32
          %sign3A_105 = arith.cmpi slt, %jit3A_92, %sign3A_104 : i32
          %sign3A_106 = arith.extui %sign3A_105 : i1 to i32
          %sign3A_107 = arith.subi %sign3A_103, %sign3A_106 : i32
          %ne3A_108 = arith.cmpi ne, %sign3A_100, %sign3A_107 : i32
          %rem3A_109 = arith.remsi %while3A_66, %jit3A_92 : i32
          %ne3A_110 = arith.constant 0 : i32
          %ne3A_111 = arith.cmpi ne, %rem3A_109, %ne3A_110 : i32
          %and3A_112 = arith.andi %ne3A_108, %ne3A_111 : i1
          %sub3A_113 = arith.constant 1 : i32
          %sub3A_114 = arith.subi %div3A_93, %sub3A_113 : i32
          %select_n3A_115 = arith.select %and3A_112, %sub3A_114, %div3A_93 : i32
          %mul3A_116 = arith.constant 16 : i32
          %mul3A_117 = arith.muli %select_n3A_115, %mul3A_116 : i32
          %broadcast_in_dim3A_118 = vector.broadcast %mul3A_117 : i32 to vector<16xi32>
          %add3A_119 = arith.addi %iota3A, %broadcast_in_dim3A_118 : vector<16xi32>
          %get3A_120 = arith.index_cast %mul3A_117 : i32 to index
          %get3A_121 = tpu.vector_load %arg14[%get3A_120] {strides = array<i32>} : memref<5072xf32, #tpu.memory_space<vmem>>, vector<16xf32>,
          %get3A_122 = arith.index_cast %mul3A_117 : i32 to index
          %get3A_123 = tpu.vector_load %arg15[%get3A_122] {strides = array<i32>} : memref<5072xf32, #tpu.memory_space<vmem>>, vector<16xf32>,
          %get3A_124 = arith.index_cast %mul3A_117 : i32 to index
          %get3A_125 = tpu.vector_load %arg16[%get3A_124] {strides = array<i32>} : memref<5072xf32, #tpu.memory_space<vmem>>, vector<16xf32>,
          %get3A_126 = arith.index_cast %mul3A_117 : i32 to index
          %get3A_127 = tpu.vector_load %arg17[%get3A_126] {strides = array<i32>} : memref<5072xf32, #tpu.memory_space<vmem>>, vector<16xf32>,
          %sub3A_128 = arith.subf %get3A_125, %get3A_121 : vector<16xf32>
          %sub3A_129 = arith.subf %get3A_127, %get3A_123 : vector<16xf32>
          %mul3A_130 = arith.mulf %sub3A_128, %sub3A_129 : vector<16xf32>
          %min3A = arith.minimumf %broadcast_in_dim3A_83, %get3A_125 : vector<16xf32>
          %max3A = arith.maximumf %broadcast_in_dim3A, %get3A_121 : vector<16xf32>
          %sub3A_131 = arith.subf %min3A, %max3A : vector<16xf32>
          %max3A_132 = arith.constant 0.000000e+00 : f32
          %max3A_133 = vector.broadcast %max3A_132 : f32 to vector<16xf32>
          %max3A_134 = arith.maximumf %sub3A_131, %max3A_133 : vector<16xf32>
          %min3A_135 = arith.minimumf %broadcast_in_dim3A_86, %get3A_127 : vector<16xf32>
          %max3A_136 = arith.maximumf %broadcast_in_dim3A_80, %get3A_123 : vector<16xf32>
          %sub3A_137 = arith.subf %min3A_135, %max3A_136 : vector<16xf32>
          %max3A_138 = arith.constant 0.000000e+00 : f32
          %max3A_139 = vector.broadcast %max3A_138 : f32 to vector<16xf32>
          %max3A_140 = arith.maximumf %sub3A_137, %max3A_139 : vector<16xf32>
          %mul3A_141 = arith.mulf %max3A_134, %max3A_140 : vector<16xf32>
          %mul3A_142 = arith.constant 3.000000e+00 : f32
          %mul3A_143 = vector.broadcast %mul3A_142 : f32 to vector<16xf32>
          %mul3A_144 = arith.mulf %mul3A_143, %mul3A_141 : vector<16xf32>
          %add3A_145 = arith.addf %broadcast_in_dim3A_89, %mul3A_130 : vector<16xf32>
          %gt3A_146 = arith.cmpf ogt, %mul3A_144, %add3A_145 : vector<16xf32>
          %broadcast_in_dim3A_147 = vector.broadcast %while3A_66 : i32 to vector<16xi32>
          %gt3A_148 = arith.cmpi sgt, %add3A_119, %broadcast_in_dim3A_147 : vector<16xi32>
          %and3A_149 = arith.andi %gt3A_146, %gt3A_148 : vector<16xi1>
          tpu.vector_store_idx %arg19[%add3A_119], %broadcast_in_dim3A_91 masked %and3A_149 : memref<5072xf32, #tpu.memory_space<vmem>>[vector<16xi32>], vector<16xf32>, vector<16xi1>
          %add3A_150 = arith.constant 1 : i32
          %add3A_151 = arith.addi %select_n3A_115, %add3A_150 : i32
          %parallel_loop3A = arith.constant 1 : i32
          scf.for %parallel_loop3A_152 = %add3A_151 to %select_n3A step %parallel_loop3A  : i32 {
            %parallel_loop3A_153 = arith.constant 16 : i32
            %parallel_loop3A_154 = arith.muli %parallel_loop3A_152, %parallel_loop3A_153 : i32
            %parallel_loop3A_155 = arith.index_cast %parallel_loop3A_154 : i32 to index
            %parallel_loop3A_156 = tpu.vector_load %arg14[%parallel_loop3A_155] {strides = array<i32>} : memref<5072xf32, #tpu.memory_space<vmem>>, vector<16xf32>,
            %parallel_loop3A_157 = arith.index_cast %parallel_loop3A_154 : i32 to index
            %parallel_loop3A_158 = tpu.vector_load %arg15[%parallel_loop3A_157] {strides = array<i32>} : memref<5072xf32, #tpu.memory_space<vmem>>, vector<16xf32>,
            %parallel_loop3A_159 = arith.index_cast %parallel_loop3A_154 : i32 to index
            %parallel_loop3A_160 = tpu.vector_load %arg16[%parallel_loop3A_159] {strides = array<i32>} : memref<5072xf32, #tpu.memory_space<vmem>>, vector<16xf32>,
            %parallel_loop3A_161 = arith.index_cast %parallel_loop3A_154 : i32 to index
            %parallel_loop3A_162 = tpu.vector_load %arg17[%parallel_loop3A_161] {strides = array<i32>} : memref<5072xf32, #tpu.memory_space<vmem>>, vector<16xf32>,
            %parallel_loop3A_163 = arith.subf %parallel_loop3A_160, %parallel_loop3A_156 : vector<16xf32>
            %parallel_loop3A_164 = arith.subf %parallel_loop3A_162, %parallel_loop3A_158 : vector<16xf32>
            %parallel_loop3A_165 = arith.mulf %parallel_loop3A_163, %parallel_loop3A_164 : vector<16xf32>
            %parallel_loop3A_166 = arith.minimumf %broadcast_in_dim3A_83, %parallel_loop3A_160 : vector<16xf32>
            %parallel_loop3A_167 = arith.maximumf %broadcast_in_dim3A, %parallel_loop3A_156 : vector<16xf32>
            %parallel_loop3A_168 = arith.subf %parallel_loop3A_166, %parallel_loop3A_167 : vector<16xf32>
            %parallel_loop3A_169 = arith.constant 0.000000e+00 : f32
            %parallel_loop3A_170 = vector.broadcast %parallel_loop3A_169 : f32 to vector<16xf32>
            %parallel_loop3A_171 = arith.maximumf %parallel_loop3A_168, %parallel_loop3A_170 : vector<16xf32>
            %parallel_loop3A_172 = arith.minimumf %broadcast_in_dim3A_86, %parallel_loop3A_162 : vector<16xf32>
            %parallel_loop3A_173 = arith.maximumf %broadcast_in_dim3A_80, %parallel_loop3A_158 : vector<16xf32>
            %parallel_loop3A_174 = arith.subf %parallel_loop3A_172, %parallel_loop3A_173 : vector<16xf32>
            %parallel_loop3A_175 = arith.constant 0.000000e+00 : f32
            %parallel_loop3A_176 = vector.broadcast %parallel_loop3A_175 : f32 to vector<16xf32>
            %parallel_loop3A_177 = arith.maximumf %parallel_loop3A_174, %parallel_loop3A_176 : vector<16xf32>
            %parallel_loop3A_178 = arith.mulf %parallel_loop3A_171, %parallel_loop3A_177 : vector<16xf32>
            %parallel_loop3A_179 = arith.constant 3.000000e+00 : f32
            %parallel_loop3A_180 = vector.broadcast %parallel_loop3A_179 : f32 to vector<16xf32>
            %parallel_loop3A_181 = arith.mulf %parallel_loop3A_180, %parallel_loop3A_178 : vector<16xf32>
            %parallel_loop3A_182 = arith.addf %broadcast_in_dim3A_89, %parallel_loop3A_165 : vector<16xf32>
            %parallel_loop3A_183 = arith.cmpf ogt, %parallel_loop3A_181, %parallel_loop3A_182 : vector<16xf32>
            %parallel_loop3A_184 = vector.broadcast %parallel_loop3A_154 : i32 to vector<16xi32>
            %parallel_loop3A_185 = arith.addi %iota3A, %parallel_loop3A_184 : vector<16xi32>
            tpu.vector_store_idx %arg19[%parallel_loop3A_185], %broadcast_in_dim3A_91 masked %parallel_loop3A_183 : memref<5072xf32, #tpu.memory_space<vmem>>[vector<16xi32>], vector<16xf32>, vector<16xi1>
          } {sc.loop_unroll_factor = 4 : i64, sc.parallel_access}
        } else {
        }
      }
      %while3A_42 = arith.constant 1 : i32
      scf.for %while3A_66 = %while3A_40 to %while3A_36 step %while3A_42  : i32 {
        %get3A = arith.index_cast %while3A_66 : i32 to index
        %get3A_67 = tpu.vector_load %arg19[%get3A] {strides = array<i32>} : memref<5072xf32, #tpu.memory_space<vmem>>, vector<16xf32>,
        %slice3A = vector.extract_strided_slice %get3A_67 {offsets = [0], sizes = [1], strides = [1]} : vector<16xf32> to vector<1xf32>
        %squeeze3A = vector.extract %slice3A[0] : f32 from vector<1xf32>
        %gt3A = arith.constant 0.000000e+00 : f32
        %gt3A_68 = arith.cmpf ogt, %squeeze3A, %gt3A : f32
        %convert_element_type3A_69 = arith.extui %gt3A_68 : i1 to i32
        %cond3A_70 = arith.constant 0 : i32
        %cond3A_71 = arith.cmpi ne, %convert_element_type3A_69, %cond3A_70 : i32
        scf.if %cond3A_71 {
          %mul3A_72 = arith.constant 5 : i32
          %mul3A_73 = arith.muli %while3A_66, %mul3A_72 : i32
          %get3A_74 = arith.index_cast %mul3A_73 : i32 to index
          %get3A_75 = tpu.vector_load %arg18[%get3A_74] {strides = array<i32>} : memref<25360xf32, #tpu.memory_space<vmem>>, vector<16xf32>,
          %slice3A_76 = vector.extract_strided_slice %get3A_75 {offsets = [0], sizes = [1], strides = [1]} : vector<16xf32> to vector<1xf32>
          %squeeze3A_77 = vector.extract %slice3A_76[0] : f32 from vector<1xf32>
          %broadcast_in_dim3A = vector.broadcast %squeeze3A_77 : f32 to vector<16xf32>
          %slice3A_78 = vector.extract_strided_slice %get3A_75 {offsets = [1], sizes = [1], strides = [1]} : vector<16xf32> to vector<1xf32>
          %squeeze3A_79 = vector.extract %slice3A_78[0] : f32 from vector<1xf32>
          %broadcast_in_dim3A_80 = vector.broadcast %squeeze3A_79 : f32 to vector<16xf32>
          %slice3A_81 = vector.extract_strided_slice %get3A_75 {offsets = [2], sizes = [1], strides = [1]} : vector<16xf32> to vector<1xf32>
          %squeeze3A_82 = vector.extract %slice3A_81[0] : f32 from vector<1xf32>
          %broadcast_in_dim3A_83 = vector.broadcast %squeeze3A_82 : f32 to vector<16xf32>
          %slice3A_84 = vector.extract_strided_slice %get3A_75 {offsets = [3], sizes = [1], strides = [1]} : vector<16xf32> to vector<1xf32>
          %squeeze3A_85 = vector.extract %slice3A_84[0] : f32 from vector<1xf32>
          %broadcast_in_dim3A_86 = vector.broadcast %squeeze3A_85 : f32 to vector<16xf32>
          %slice3A_87 = vector.extract_strided_slice %get3A_75 {offsets = [4], sizes = [1], strides = [1]} : vector<16xf32> to vector<1xf32>
          %squeeze3A_88 = vector.extract %slice3A_87[0] : f32 from vector<1xf32>
          %broadcast_in_dim3A_89 = vector.broadcast %squeeze3A_88 : f32 to vector<16xf32>
          %broadcast_in_dim3A_90 = arith.constant 0.000000e+00 : f32
          %broadcast_in_dim3A_91 = vector.broadcast %broadcast_in_dim3A_90 : f32 to vector<16xf32>
          %jit3A_92 = arith.constant 16 : i32
          %div3A_93 = arith.divsi %while3A_66, %jit3A_92 : i32
          %sign3A_94 = arith.constant 0 : i32
          %sign3A_95 = arith.cmpi sgt, %while3A_66, %sign3A_94 : i32
          %sign3A_96 = arith.extui %sign3A_95 : i1 to i32
          %sign3A_97 = arith.constant 0 : i32
          %sign3A_98 = arith.cmpi slt, %while3A_66, %sign3A_97 : i32
          %sign3A_99 = arith.extui %sign3A_98 : i1 to i32
          %sign3A_100 = arith.subi %sign3A_96, %sign3A_99 : i32
          %sign3A_101 = arith.constant 0 : i32
          %sign3A_102 = arith.cmpi sgt, %jit3A_92, %sign3A_101 : i32
          %sign3A_103 = arith.extui %sign3A_102 : i1 to i32
          %sign3A_104 = arith.constant 0 : i32
          %sign3A_105 = arith.cmpi slt, %jit3A_92, %sign3A_104 : i32
          %sign3A_106 = arith.extui %sign3A_105 : i1 to i32
          %sign3A_107 = arith.subi %sign3A_103, %sign3A_106 : i32
          %ne3A_108 = arith.cmpi ne, %sign3A_100, %sign3A_107 : i32
          %rem3A_109 = arith.remsi %while3A_66, %jit3A_92 : i32
          %ne3A_110 = arith.constant 0 : i32
          %ne3A_111 = arith.cmpi ne, %rem3A_109, %ne3A_110 : i32
          %and3A_112 = arith.andi %ne3A_108, %ne3A_111 : i1
          %sub3A_113 = arith.constant 1 : i32
          %sub3A_114 = arith.subi %div3A_93, %sub3A_113 : i32
          %select_n3A_115 = arith.select %and3A_112, %sub3A_114, %div3A_93 : i32
          %mul3A_116 = arith.constant 16 : i32
          %mul3A_117 = arith.muli %select_n3A_115, %mul3A_116 : i32
          %broadcast_in_dim3A_118 = vector.broadcast %mul3A_117 : i32 to vector<16xi32>
          %add3A_119 = arith.addi %iota3A, %broadcast_in_dim3A_118 : vector<16xi32>
          %get3A_120 = arith.index_cast %mul3A_117 : i32 to index
          %get3A_121 = tpu.vector_load %arg14[%get3A_120] {strides = array<i32>} : memref<5072xf32, #tpu.memory_space<vmem>>, vector<16xf32>,
          %get3A_122 = arith.index_cast %mul3A_117 : i32 to index
          %get3A_123 = tpu.vector_load %arg15[%get3A_122] {strides = array<i32>} : memref<5072xf32, #tpu.memory_space<vmem>>, vector<16xf32>,
          %get3A_124 = arith.index_cast %mul3A_117 : i32 to index
          %get3A_125 = tpu.vector_load %arg16[%get3A_124] {strides = array<i32>} : memref<5072xf32, #tpu.memory_space<vmem>>, vector<16xf32>,
          %get3A_126 = arith.index_cast %mul3A_117 : i32 to index
          %get3A_127 = tpu.vector_load %arg17[%get3A_126] {strides = array<i32>} : memref<5072xf32, #tpu.memory_space<vmem>>, vector<16xf32>,
          %sub3A_128 = arith.subf %get3A_125, %get3A_121 : vector<16xf32>
          %sub3A_129 = arith.subf %get3A_127, %get3A_123 : vector<16xf32>
          %mul3A_130 = arith.mulf %sub3A_128, %sub3A_129 : vector<16xf32>
          %min3A = arith.minimumf %broadcast_in_dim3A_83, %get3A_125 : vector<16xf32>
          %max3A = arith.maximumf %broadcast_in_dim3A, %get3A_121 : vector<16xf32>
          %sub3A_131 = arith.subf %min3A, %max3A : vector<16xf32>
          %max3A_132 = arith.constant 0.000000e+00 : f32
          %max3A_133 = vector.broadcast %max3A_132 : f32 to vector<16xf32>
          %max3A_134 = arith.maximumf %sub3A_131, %max3A_133 : vector<16xf32>
          %min3A_135 = arith.minimumf %broadcast_in_dim3A_86, %get3A_127 : vector<16xf32>
          %max3A_136 = arith.maximumf %broadcast_in_dim3A_80, %get3A_123 : vector<16xf32>
          %sub3A_137 = arith.subf %min3A_135, %max3A_136 : vector<16xf32>
          %max3A_138 = arith.constant 0.000000e+00 : f32
          %max3A_139 = vector.broadcast %max3A_138 : f32 to vector<16xf32>
          %max3A_140 = arith.maximumf %sub3A_137, %max3A_139 : vector<16xf32>
          %mul3A_141 = arith.mulf %max3A_134, %max3A_140 : vector<16xf32>
          %mul3A_142 = arith.constant 3.000000e+00 : f32
          %mul3A_143 = vector.broadcast %mul3A_142 : f32 to vector<16xf32>
          %mul3A_144 = arith.mulf %mul3A_143, %mul3A_141 : vector<16xf32>
          %add3A_145 = arith.addf %broadcast_in_dim3A_89, %mul3A_130 : vector<16xf32>
          %gt3A_146 = arith.cmpf ogt, %mul3A_144, %add3A_145 : vector<16xf32>
          %broadcast_in_dim3A_147 = vector.broadcast %while3A_66 : i32 to vector<16xi32>
          %gt3A_148 = arith.cmpi sgt, %add3A_119, %broadcast_in_dim3A_147 : vector<16xi32>
          %and3A_149 = arith.andi %gt3A_146, %gt3A_148 : vector<16xi1>
          tpu.vector_store_idx %arg19[%add3A_119], %broadcast_in_dim3A_91 masked %and3A_149 : memref<5072xf32, #tpu.memory_space<vmem>>[vector<16xi32>], vector<16xf32>, vector<16xi1>
          %add3A_150 = arith.constant 1 : i32
          %add3A_151 = arith.addi %select_n3A_115, %add3A_150 : i32
          %parallel_loop3A = arith.constant 1 : i32
          scf.for %parallel_loop3A_152 = %add3A_151 to %select_n3A step %parallel_loop3A  : i32 {
            %parallel_loop3A_153 = arith.constant 16 : i32
            %parallel_loop3A_154 = arith.muli %parallel_loop3A_152, %parallel_loop3A_153 : i32
            %parallel_loop3A_155 = arith.index_cast %parallel_loop3A_154 : i32 to index
            %parallel_loop3A_156 = tpu.vector_load %arg14[%parallel_loop3A_155] {strides = array<i32>} : memref<5072xf32, #tpu.memory_space<vmem>>, vector<16xf32>,
            %parallel_loop3A_157 = arith.index_cast %parallel_loop3A_154 : i32 to index
            %parallel_loop3A_158 = tpu.vector_load %arg15[%parallel_loop3A_157] {strides = array<i32>} : memref<5072xf32, #tpu.memory_space<vmem>>, vector<16xf32>,
            %parallel_loop3A_159 = arith.index_cast %parallel_loop3A_154 : i32 to index
            %parallel_loop3A_160 = tpu.vector_load %arg16[%parallel_loop3A_159] {strides = array<i32>} : memref<5072xf32, #tpu.memory_space<vmem>>, vector<16xf32>,
            %parallel_loop3A_161 = arith.index_cast %parallel_loop3A_154 : i32 to index
            %parallel_loop3A_162 = tpu.vector_load %arg17[%parallel_loop3A_161] {strides = array<i32>} : memref<5072xf32, #tpu.memory_space<vmem>>, vector<16xf32>,
            %parallel_loop3A_163 = arith.subf %parallel_loop3A_160, %parallel_loop3A_156 : vector<16xf32>
            %parallel_loop3A_164 = arith.subf %parallel_loop3A_162, %parallel_loop3A_158 : vector<16xf32>
            %parallel_loop3A_165 = arith.mulf %parallel_loop3A_163, %parallel_loop3A_164 : vector<16xf32>
            %parallel_loop3A_166 = arith.minimumf %broadcast_in_dim3A_83, %parallel_loop3A_160 : vector<16xf32>
            %parallel_loop3A_167 = arith.maximumf %broadcast_in_dim3A, %parallel_loop3A_156 : vector<16xf32>
            %parallel_loop3A_168 = arith.subf %parallel_loop3A_166, %parallel_loop3A_167 : vector<16xf32>
            %parallel_loop3A_169 = arith.constant 0.000000e+00 : f32
            %parallel_loop3A_170 = vector.broadcast %parallel_loop3A_169 : f32 to vector<16xf32>
            %parallel_loop3A_171 = arith.maximumf %parallel_loop3A_168, %parallel_loop3A_170 : vector<16xf32>
            %parallel_loop3A_172 = arith.minimumf %broadcast_in_dim3A_86, %parallel_loop3A_162 : vector<16xf32>
            %parallel_loop3A_173 = arith.maximumf %broadcast_in_dim3A_80, %parallel_loop3A_158 : vector<16xf32>
            %parallel_loop3A_174 = arith.subf %parallel_loop3A_172, %parallel_loop3A_173 : vector<16xf32>
            %parallel_loop3A_175 = arith.constant 0.000000e+00 : f32
            %parallel_loop3A_176 = vector.broadcast %parallel_loop3A_175 : f32 to vector<16xf32>
            %parallel_loop3A_177 = arith.maximumf %parallel_loop3A_174, %parallel_loop3A_176 : vector<16xf32>
            %parallel_loop3A_178 = arith.mulf %parallel_loop3A_171, %parallel_loop3A_177 : vector<16xf32>
            %parallel_loop3A_179 = arith.constant 3.000000e+00 : f32
            %parallel_loop3A_180 = vector.broadcast %parallel_loop3A_179 : f32 to vector<16xf32>
            %parallel_loop3A_181 = arith.mulf %parallel_loop3A_180, %parallel_loop3A_178 : vector<16xf32>
            %parallel_loop3A_182 = arith.addf %broadcast_in_dim3A_89, %parallel_loop3A_165 : vector<16xf32>
            %parallel_loop3A_183 = arith.cmpf ogt, %parallel_loop3A_181, %parallel_loop3A_182 : vector<16xf32>
            %parallel_loop3A_184 = vector.broadcast %parallel_loop3A_154 : i32 to vector<16xi32>
            %parallel_loop3A_185 = arith.addi %iota3A, %parallel_loop3A_184 : vector<16xi32>
            tpu.vector_store_idx %arg19[%parallel_loop3A_185], %broadcast_in_dim3A_91 masked %parallel_loop3A_183 : memref<5072xf32, #tpu.memory_space<vmem>>[vector<16xi32>], vector<16xf32>, vector<16xi1>
          } {sc.loop_unroll_factor = 4 : i64, sc.parallel_access}
        } else {
        }
      }
      %scan3A_43 = arith.constant 0 : i32
      %scan3A_44 = arith.constant 0 : i32
      %scan3A_45 = arith.constant 317 : i32
      %scan3A_46 = arith.addi %scan3A_44, %scan3A_45 : i32
      %scan3A_47 = arith.constant 1 : i32
      scf.for %scan3A_66 = %scan3A_44 to %scan3A_46 step %scan3A_47  : i32 {
        %mul3A_67 = arith.constant 16 : i32
        %mul3A_68 = arith.muli %scan3A_66, %mul3A_67 : i32
        %get3A = arith.index_cast %mul3A_68 : i32 to index
        %get3A_69 = tpu.vector_load %arg13[%get3A] {strides = array<i32>} : memref<5072xi32, #tpu.memory_space<vmem>>, vector<16xi32>,
        %get3A_70 = arith.index_cast %mul3A_68 : i32 to index
        %get3A_71 = tpu.vector_load %arg19[%get3A_70] {strides = array<i32>} : memref<5072xf32, #tpu.memory_space<vmem>>, vector<16xf32>,
        tpu.vector_store_idx %arg20[%get3A_69], %get3A_71 : memref<5072xf32, #tpu.memory_space<vmem>>[vector<16xi32>], vector<16xf32>,
      }
      %scan3A_48 = arith.constant 317 : i32
      %sub3A_49 = arith.constant 1 : i32
      %sub3A_50 = arith.subi %add3A_4, %sub3A_49 : i32
      %convert_element_type3A_51 = arith.sitofp %sub3A_50 : i32 to f32
      %scan3A_52 = arith.constant 0 : i32
      %scan3A_53 = arith.constant 0 : i32
      %scan3A_54 = arith.constant 317 : i32
      %scan3A_55 = arith.addi %scan3A_53, %scan3A_54 : i32
      %scan3A_56 = arith.constant 1 : i32
      scf.for %scan3A_66 = %scan3A_53 to %scan3A_55 step %scan3A_56  : i32 {
        %mul3A_67 = arith.constant 16 : i32
        %mul3A_68 = arith.muli %scan3A_66, %mul3A_67 : i32
        %get3A = arith.index_cast %mul3A_68 : i32 to index
        %get3A_69 = tpu.vector_load %arg20[%get3A] {strides = array<i32>} : memref<5072xf32, #tpu.memory_space<vmem>>, vector<16xf32>,
        %broadcast_in_dim3A = vector.broadcast %mul3A_68 : i32 to vector<16xi32>
        %add3A_70 = arith.addi %iota3A, %broadcast_in_dim3A : vector<16xi32>
        %mul3A_71 = arith.constant 4 : i32
        %mul3A_72 = vector.broadcast %mul3A_71 : i32 to vector<16xi32>
        %mul3A_73 = arith.muli %add3A_70, %mul3A_72 : vector<16xi32>
        %get3A_74 = arith.index_cast %mul3A_68 : i32 to index
        %get3A_75 = tpu.vector_load %arg8[%get3A_74] {strides = array<i32>} : memref<5072xf32, #tpu.memory_space<vmem>>, vector<16xf32>,
        %mul3A_76 = arith.mulf %get3A_75, %get3A_69 : vector<16xf32>
        tpu.vector_store_idx %arg21[%mul3A_73], %mul3A_76 : memref<20288xf32, #tpu.memory_space<vmem>>[vector<16xi32>], vector<16xf32>,
        %add3A_77 = arith.constant 1 : i32
        %add3A_78 = vector.broadcast %add3A_77 : i32 to vector<16xi32>
        %add3A_79 = arith.addi %mul3A_73, %add3A_78 : vector<16xi32>
        %get3A_80 = arith.index_cast %mul3A_68 : i32 to index
        %get3A_81 = tpu.vector_load %arg9[%get3A_80] {strides = array<i32>} : memref<5072xf32, #tpu.memory_space<vmem>>, vector<16xf32>,
        %mul3A_82 = arith.mulf %get3A_81, %get3A_69 : vector<16xf32>
        tpu.vector_store_idx %arg21[%add3A_79], %mul3A_82 : memref<20288xf32, #tpu.memory_space<vmem>>[vector<16xi32>], vector<16xf32>,
        %add3A_83 = arith.constant 2 : i32
        %add3A_84 = vector.broadcast %add3A_83 : i32 to vector<16xi32>
        %add3A_85 = arith.addi %mul3A_73, %add3A_84 : vector<16xi32>
        %get3A_86 = arith.index_cast %mul3A_68 : i32 to index
        %get3A_87 = tpu.vector_load %arg10[%get3A_86] {strides = array<i32>} : memref<5072xf32, #tpu.memory_space<vmem>>, vector<16xf32>,
        %mul3A_88 = arith.mulf %get3A_87, %get3A_69 : vector<16xf32>
        tpu.vector_store_idx %arg21[%add3A_85], %mul3A_88 : memref<20288xf32, #tpu.memory_space<vmem>>[vector<16xi32>], vector<16xf32>,
        %add3A_89 = arith.constant 3 : i32
        %add3A_90 = vector.broadcast %add3A_89 : i32 to vector<16xi32>
        %add3A_91 = arith.addi %mul3A_73, %add3A_90 : vector<16xi32>
        %get3A_92 = arith.index_cast %mul3A_68 : i32 to index
        %get3A_93 = tpu.vector_load %arg11[%get3A_92] {strides = array<i32>} : memref<5072xf32, #tpu.memory_space<vmem>>, vector<16xf32>,
        %mul3A_94 = arith.mulf %get3A_93, %get3A_69 : vector<16xf32>
        tpu.vector_store_idx %arg21[%add3A_91], %mul3A_94 : memref<20288xf32, #tpu.memory_space<vmem>>[vector<16xi32>], vector<16xf32>,
        %broadcast_in_dim3A_95 = vector.broadcast %convert_element_type3A_51 : f32 to vector<16xf32>
        %mul3A_96 = arith.mulf %get3A_69, %broadcast_in_dim3A_95 : vector<16xf32>
        %swap3A = arith.index_cast %mul3A_68 : i32 to index
        %swap3A_97 = tpu.vector_load %arg22[%swap3A] {strides = array<i32>} : memref<5072xf32, #tpu.memory_space<vmem>>, vector<16xf32>,
        tpu.vector_store %arg22[%swap3A], %mul3A_96 {strides = array<i32>} : memref<5072xf32, #tpu.memory_space<vmem>>, vector<16xf32>,
        %get3A_98 = arith.index_cast %mul3A_68 : i32 to index
        %get3A_99 = tpu.vector_load %arg12[%get3A_98] {strides = array<i32>} : memref<5072xf32, #tpu.memory_space<vmem>>, vector<16xf32>,
        %mul3A_100 = arith.mulf %get3A_69, %get3A_99 : vector<16xf32>
        %swap3A_101 = arith.index_cast %mul3A_68 : i32 to index
        %swap3A_102 = tpu.vector_load %arg23[%swap3A_101] {strides = array<i32>} : memref<5072xf32, #tpu.memory_space<vmem>>, vector<16xf32>,
        tpu.vector_store %arg23[%swap3A_101], %mul3A_100 {strides = array<i32>} : memref<5072xf32, #tpu.memory_space<vmem>>, vector<16xf32>,
      }
      %scan3A_57 = arith.constant 317 : i32
      %mul3A_58 = arith.constant 5000 : i32
      %mul3A_59 = arith.muli %add3A, %mul3A_58 : i32
      %mul3A_60 = arith.constant 4 : i32
      %mul3A_61 = arith.muli %mul3A_59, %mul3A_60 : i32
      "tpu.region"() ({
        %run_scoped3A_66 = tpu.sem_alloc : memref<!tpu.dma_semaphore, #tpu.memory_space<semaphore_mem>>
        %dma_start3A = arith.constant 0 : i32
        %dma_start3A_67 = tpu.memref_slice %arg21[%dma_start3A] : memref<20288xf32, #tpu.memory_space<vmem>> -> memref<20000xf32, #tpu.memory_space<vmem>>
        %dma_start3A_68 = tpu.memref_slice %arg5[%mul3A_61] : memref<400000xf32, #tpu.memory_space<hbm>> -> memref<20000xf32, #tpu.memory_space<hbm>>
        %dma_start3A_69 = tpu.memref_slice %arg5[%mul3A_61] : memref<400000xf32, #tpu.memory_space<hbm>> -> memref<20000xf32, #tpu.memory_space<hbm>>
        %dma_start3A_70 = arith.constant 0 : i32
        %dma_start3A_71 = tpu.memref_slice %arg21[%dma_start3A_70] : memref<20288xf32, #tpu.memory_space<vmem>> -> memref<20000xf32, #tpu.memory_space<vmem>>
        tpu.enqueue_dma source(%dma_start3A_71 : memref<20000xf32, #tpu.memory_space<vmem>>) target(%dma_start3A_69 : memref<20000xf32, #tpu.memory_space<hbm>>) target_semaphore(%run_scoped3A_66 : memref<!tpu.dma_semaphore, #tpu.memory_space<semaphore_mem>>)
        %dma_wait3A = arith.constant 0 : i32
        %dma_wait3A_72 = tpu.memref_slice %arg21[%dma_wait3A] : memref<20288xf32, #tpu.memory_space<vmem>> -> memref<20000xf32, #tpu.memory_space<vmem>>
        %dma_wait3A_73 = tpu.memref_slice %arg5[%mul3A_61] : memref<400000xf32, #tpu.memory_space<hbm>> -> memref<20000xf32, #tpu.memory_space<hbm>>
        %dma_wait3A_74 = tpu.memref_slice %arg5[%mul3A_61] : memref<400000xf32, #tpu.memory_space<hbm>> -> memref<20000xf32, #tpu.memory_space<hbm>>
        %dma_wait3A_75 = arith.constant 0 : i32
        %dma_wait3A_76 = tpu.memref_slice %arg21[%dma_wait3A_75] : memref<20288xf32, #tpu.memory_space<vmem>> -> memref<20000xf32, #tpu.memory_space<vmem>>
        tpu.wait_dma2 semaphore(%run_scoped3A_66 : memref<!tpu.dma_semaphore, #tpu.memory_space<semaphore_mem>>) src(%dma_wait3A_76 : memref<20000xf32, #tpu.memory_space<vmem>>) dst(%dma_wait3A_74 : memref<20000xf32, #tpu.memory_space<hbm>>)
        tpu.yield
      }) : () -> ()
      %mul3A_62 = arith.constant 5000 : i32
      %mul3A_63 = arith.muli %add3A, %mul3A_62 : i32
      "tpu.region"() ({
        %run_scoped3A_66 = tpu.sem_alloc : memref<!tpu.dma_semaphore, #tpu.memory_space<semaphore_mem>>
        %dma_start3A = arith.constant 0 : i32
        %dma_start3A_67 = tpu.memref_slice %arg22[%dma_start3A] : memref<5072xf32, #tpu.memory_space<vmem>> -> memref<5000xf32, #tpu.memory_space<vmem>>
        %dma_start3A_68 = tpu.memref_slice %arg6[%mul3A_63] : memref<100000xf32, #tpu.memory_space<hbm>> -> memref<5000xf32, #tpu.memory_space<hbm>>
        %dma_start3A_69 = tpu.memref_slice %arg6[%mul3A_63] : memref<100000xf32, #tpu.memory_space<hbm>> -> memref<5000xf32, #tpu.memory_space<hbm>>
        %dma_start3A_70 = arith.constant 0 : i32
        %dma_start3A_71 = tpu.memref_slice %arg22[%dma_start3A_70] : memref<5072xf32, #tpu.memory_space<vmem>> -> memref<5000xf32, #tpu.memory_space<vmem>>
        tpu.enqueue_dma source(%dma_start3A_71 : memref<5000xf32, #tpu.memory_space<vmem>>) target(%dma_start3A_69 : memref<5000xf32, #tpu.memory_space<hbm>>) target_semaphore(%run_scoped3A_66 : memref<!tpu.dma_semaphore, #tpu.memory_space<semaphore_mem>>)
        %dma_wait3A = arith.constant 0 : i32
        %dma_wait3A_72 = tpu.memref_slice %arg22[%dma_wait3A] : memref<5072xf32, #tpu.memory_space<vmem>> -> memref<5000xf32, #tpu.memory_space<vmem>>
        %dma_wait3A_73 = tpu.memref_slice %arg6[%mul3A_63] : memref<100000xf32, #tpu.memory_space<hbm>> -> memref<5000xf32, #tpu.memory_space<hbm>>
        %dma_wait3A_74 = tpu.memref_slice %arg6[%mul3A_63] : memref<100000xf32, #tpu.memory_space<hbm>> -> memref<5000xf32, #tpu.memory_space<hbm>>
        %dma_wait3A_75 = arith.constant 0 : i32
        %dma_wait3A_76 = tpu.memref_slice %arg22[%dma_wait3A_75] : memref<5072xf32, #tpu.memory_space<vmem>> -> memref<5000xf32, #tpu.memory_space<vmem>>
        tpu.wait_dma2 semaphore(%run_scoped3A_66 : memref<!tpu.dma_semaphore, #tpu.memory_space<semaphore_mem>>) src(%dma_wait3A_76 : memref<5000xf32, #tpu.memory_space<vmem>>) dst(%dma_wait3A_74 : memref<5000xf32, #tpu.memory_space<hbm>>)
        tpu.yield
      }) : () -> ()
      %mul3A_64 = arith.constant 5000 : i32
      %mul3A_65 = arith.muli %add3A, %mul3A_64 : i32
      "tpu.region"() ({
        %run_scoped3A_66 = tpu.sem_alloc : memref<!tpu.dma_semaphore, #tpu.memory_space<semaphore_mem>>
        %dma_start3A = arith.constant 0 : i32
        %dma_start3A_67 = tpu.memref_slice %arg23[%dma_start3A] : memref<5072xf32, #tpu.memory_space<vmem>> -> memref<5000xf32, #tpu.memory_space<vmem>>
        %dma_start3A_68 = tpu.memref_slice %arg7[%mul3A_65] : memref<100000xf32, #tpu.memory_space<hbm>> -> memref<5000xf32, #tpu.memory_space<hbm>>
        %dma_start3A_69 = tpu.memref_slice %arg7[%mul3A_65] : memref<100000xf32, #tpu.memory_space<hbm>> -> memref<5000xf32, #tpu.memory_space<hbm>>
        %dma_start3A_70 = arith.constant 0 : i32
        %dma_start3A_71 = tpu.memref_slice %arg23[%dma_start3A_70] : memref<5072xf32, #tpu.memory_space<vmem>> -> memref<5000xf32, #tpu.memory_space<vmem>>
        tpu.enqueue_dma source(%dma_start3A_71 : memref<5000xf32, #tpu.memory_space<vmem>>) target(%dma_start3A_69 : memref<5000xf32, #tpu.memory_space<hbm>>) target_semaphore(%run_scoped3A_66 : memref<!tpu.dma_semaphore, #tpu.memory_space<semaphore_mem>>)
        %dma_wait3A = arith.constant 0 : i32
        %dma_wait3A_72 = tpu.memref_slice %arg23[%dma_wait3A] : memref<5072xf32, #tpu.memory_space<vmem>> -> memref<5000xf32, #tpu.memory_space<vmem>>
        %dma_wait3A_73 = tpu.memref_slice %arg7[%mul3A_65] : memref<100000xf32, #tpu.memory_space<hbm>> -> memref<5000xf32, #tpu.memory_space<hbm>>
        %dma_wait3A_74 = tpu.memref_slice %arg7[%mul3A_65] : memref<100000xf32, #tpu.memory_space<hbm>> -> memref<5000xf32, #tpu.memory_space<hbm>>
        %dma_wait3A_75 = arith.constant 0 : i32
        %dma_wait3A_76 = tpu.memref_slice %arg23[%dma_wait3A_75] : memref<5072xf32, #tpu.memory_space<vmem>> -> memref<5000xf32, #tpu.memory_space<vmem>>
        tpu.wait_dma2 semaphore(%run_scoped3A_66 : memref<!tpu.dma_semaphore, #tpu.memory_space<semaphore_mem>>) src(%dma_wait3A_76 : memref<5000xf32, #tpu.memory_space<vmem>>) dst(%dma_wait3A_74 : memref<5000xf32, #tpu.memory_space<hbm>>)
        tpu.yield
      }) : () -> ()
    } else {
    }
    return
  }
}

</mosaic_0001>

<sc_bundles>
// kernel: sc_nms.3.cloned.1.call-start
scs
__scs_entry_jumppad:
0x0: {  	(pc) =	sbr.rel $0x88, $3  }
0x1: {  	(tag) =	ssettag $0x0;
	lr =	simm.s32 $0x1  }
0x2: {  	[smem:$0x3F9E] =	sst lr;
	_ =	strace $0xD0000000  }
0x3: {  	_ = 	snop  }
0x4: {  	_ = 	snop  }
0x5: {  	_ = 	snop  }
0x6: {  	_ = 	snop  }
0x7: {  	_ = 	snop  }
__scs_overlays_trampoline_lowered:
0x8: {  	[smem:$0x3FAD] =	sst s0  }
0x9: {  	[smem:$0x3FAE] =	sst s1  }
0xa: {  	[smem:$0x3FAF] =	sst s2  }
0xb: {  	[smem:$0x3FB0] =	sst s3  }
0xc: {  	[smem:$0x3FB1] =	sst s4  }
0xd: {  	[smem:$0x3FB2] =	sst s5  }
0xe: {  	[smem:$0x3FB3] =	sst s6  }
0xf: {  	[smem:$0x3FB4] =	sst s7  }
0x10: {  	[smem:$0x3FB5] =	sst s8  }
0x11: {  	[smem:$0x3FB6] =	sst s9;
	s0 =	simm.s32 @!p0 $0x0  }
0x12: {  	s1 =	sld [smem:$0x3F9C];
	s0 =	simm.s32 @p0 $0x1  }
0x13: {  	[smem:$0x3FB7] =	sst s0;
	s0 =	simm.s32 @!p1 $0x0  }
0x14: {  	s2 =	sld [smem:$0x3F9B];
	s0 =	simm.s32 @p1 $0x1  }
0x15: {  	[smem:$0x3FB8] =	sst s0;
	s0 =	simm.s32 @!p2 $0x0  }
0x16: {  	s3 =	sld [smem:$0x3FDB];
	s0 =	simm.s32 @p2 $0x1  }
0x17: {  	s4 =	simm.s32 $0x1BF5;
	[smem:$0x3FBA] =	sst s0  }
0x18: {  	s0 =	sld [smem:$0x3F9D];
	_ =	swait.ge [sflag:s4], $0x0  }
0x19: {  	s7 =	sld [smem:$0x3F9E]  }
0x1a: {  	s8 =	sadd.s32 $0xFFFFE003, lr  }
0x1b: {  	s9 =	sadd.s32 $0xFFFFFEF7, lr;
	s5 =	simm.s32 $0xFFFFFFFF;
	p2 =	slt.u32 s8, $0xFFFFF086  }
0x1c: {  	p1 =	slt.u32 s9, $0xF7A;
	s5 =	simm.s32 @!p2 $0x0  }
0x1d: {  	s5 =	simm.s32 @p1 $0x1;
	p0 =	seq.s32 s7, s2  }
0x1e: {  	s7 =	smul.u32 @!p0 $0xF7A, s2;
	p2 =	seq.s32 @!p0 s5, $0x0  }
0x1f: {  	s9 =	smul.u32 $0xF7A, s1;
	s8 =	simm.s32 @!p0 $0x1BF5;
	p2 =	por !p2, p0  }
0x20: {  	[sflag:s8] =	ssyncset.s32 @!p0 $0xFFFFF086;
	s6 =	sadd.s32 @!p0 s3, s7;
	s7 =	simm.s32 @!p0 $0x108  }
0x21: {  	s3 =	sadd.s32 s3, s9;
	s6 =	sadd.s32 @!p0 $0x88, s6;
	s7 =	simm.s32 @p2 $0x1082  }
0x22: {  	[simem:s7], [sflag:s8] =	dma.local @!p0 [hbm:s6], $0xF7A  }
0x23: {  	s9 =	sor.u32 $0xD0000000, s2;
	s6 =	simm.s32 $0x108;
	_ =	swait.ge @!p0 [sflag:s8], $0x0  }
0x24: {  	s3 =	sadd.s32 $0x88, s3;
	s6 =	simm.s32 @!p1 $0x1082;
	[sflag:s4] =	ssyncset.s32 $0xFFFFF086  }
0x25: {  	[simem:s6], [sflag:s4] =	dma.local [hbm:s3], $0xF7A  }
0x26: {  	[smem:$0x3F9E] =	sst s1;
	(tag) =	ssettag s2;
	_ =	strace s9  }
0x27: {  	s1 =	sld [smem:$0x3FAE]  }
0x28: {  	s2 =	sld [smem:$0x3FAF]  }
0x29: {  	s4 =	sld [smem:$0x3FB1]  }
0x2a: {  	p0 =	seq.s32 s5, $0x0;
	s5 =	sld [smem:$0x3FB2]  }
0x2b: {  	s6 =	sld [smem:$0x3FB3]  }
0x2c: {  	s7 =	sld [smem:$0x3FB4]  }
0x2d: {  	s3 =	simm.s32 $0x108;
	s8 =	sld [smem:$0x3FB5]  }
0x2e: {  	s3 =	simm.s32 @!p0 $0x1082;
	s9 =	sld [smem:$0x3FB6]  }
0x2f: {  	lr =	sadd.s32 s0, s3;
	s0 =	sld [smem:$0x3FAD]  }
0x30: {  	s3 =	sld [smem:$0x3FB0]  }
0x31: {  	[smem:$0x3FB9] =	sst s10  }
0x32: {  	s10 =	sld [smem:$0x3FB7];
	_ =	sdelay $0x3  }
0x33: {  	p0 =	seq.s32 s10, $0x1;
	s10 =	sld [smem:$0x3FB9];
	_ =	sdelay $0x3  }
0x34: {  	[smem:$0x3FB9] =	sst s10  }
0x35: {  	s10 =	sld [smem:$0x3FB8];
	_ =	sdelay $0x3  }
0x36: {  	p1 =	seq.s32 s10, $0x1;
	s10 =	sld [smem:$0x3FB9];
	_ =	sdelay $0x3  }
0x37: {  	[smem:$0x3FB9] =	sst s10  }
0x38: {  	s10 =	sld [smem:$0x3FBA]  }
0x39: {  	_ = 	snop;
	(pc) =	sbr.ind lr, $3  }
0x3a: {  	_ = 	snop  }
0x3b: {  	_ = 	snop  }
0x3c: {  	p2 =	seq.s32 s10, $0x1;
	s10 =	sld [smem:$0x3FB9]  }
0x3d: {  	_ =	shalt  }
0x3e: {  	_ =	shalt  }
0x3f: {  	_ =	shalt  }
0x40: {  	_ =	shalt  }
0x41: {  	_ =	shalt  }
0x42: {  	_ =	shalt  }
0x43: {  	_ =	shalt  }
0x44: {  	_ =	shalt  }
0x45: {  	_ =	shalt  }
0x46: {  	_ =	shalt  }
0x47: {  	_ =	shalt  }
0x48: {  	_ =	shalt  }
0x49: {  	_ =	shalt  }
0x4a: {  	_ =	shalt  }
0x4b: {  	_ =	shalt  }
0x4c: {  	_ =	shalt  }
0x4d: {  	_ =	shalt  }
0x4e: {  	_ =	shalt  }
0x4f: {  	_ =	shalt  }
0x50: {  	_ =	shalt  }
0x51: {  	_ =	shalt  }
0x52: {  	_ =	shalt  }
0x53: {  	_ =	shalt  }
0x54: {  	_ =	shalt  }
0x55: {  	_ =	shalt  }
0x56: {  	_ =	shalt  }
0x57: {  	_ =	shalt  }
0x58: {  	_ =	shalt  }
0x59: {  	_ =	shalt  }
0x5a: {  	_ =	shalt  }
0x5b: {  	_ =	shalt  }
0x5c: {  	_ =	shalt  }
0x5d: {  	_ =	shalt  }
0x5e: {  	_ =	shalt  }
0x5f: {  	_ =	shalt  }
0x60: {  	_ =	shalt  }
0x61: {  	_ =	shalt  }
0x62: {  	_ =	shalt  }
0x63: {  	_ =	shalt  }
0x64: {  	_ =	shalt  }
0x65: {  	_ =	shalt  }
0x66: {  	_ =	shalt  }
0x67: {  	_ =	shalt  }
0x68: {  	_ =	shalt  }
0x69: {  	_ =	shalt  }
0x6a: {  	_ =	shalt  }
0x6b: {  	_ =	shalt  }
0x6c: {  	_ =	shalt  }
0x6d: {  	_ =	shalt  }
0x6e: {  	_ =	shalt  }
0x6f: {  	_ =	shalt  }
0x70: {  	_ =	shalt  }
0x71: {  	_ =	shalt  }
0x72: {  	_ =	shalt  }
0x73: {  	_ =	shalt  }
0x74: {  	_ =	shalt  }
0x75: {  	_ =	shalt  }
0x76: {  	_ =	shalt  }
0x77: {  	_ =	shalt  }
0x78: {  	_ =	shalt  }
0x79: {  	_ =	shalt  }
0x7a: {  	_ =	shalt  }
0x7b: {  	_ =	shalt  }
0x7c: {  	_ =	shalt  }
0x7d: {  	_ =	shalt  }
0x7e: {  	_ =	shalt  }
0x7f: {  	_ =	shalt  }
0x80: {  	_ =	shalt  }
0x81: {  	_ =	shalt  }
0x82: {  	_ =	shalt  }
0x83: {  	_ =	shalt  }
0x84: {  	_ =	shalt  }
0x85: {  	_ =	shalt  }
0x86: {  	_ =	shalt  }
0x87: {  	_ =	shalt  }
.Lfunc_end0:
.L_simem_size_0:
called_computation_lowered:
.L_overlay_start_0:
0x88: {  	s2 =	sld [smem:$0x3FD9]  }
0x89: {  	s3 =	sld [smem:$0x3FFE];
	_ =	sdelay $0x1  }
0x8a: {  	s1 =	srdreg.scid  }
0x8b: {  	s0 =	sand.u32 $0x1, s1  }
0x8c: {  	s15 =	sshll.u32 s0, $0xA;
	s2 =	sadd.s32 s3, s2  }
0x8d: {  	s2 =	sadd.s32 s2, s15  }
0x8e: {  	[smem:$0x3FC5] =	sst s2  }
0x8f: {  	_ = 	snop  }
0x90: {  	s2 =	sld [smem:$0x3FD0]  }
0x91: {  	s16 =	sld [smem:$0x3FC9]  }
0x92: {  	s4 =	sld [smem:$0x3FC8]  }
0x93: {  	s6 =	simm.s32 $0xA;
	s7 =	simm.s32 $0x10;
	s5 =	sld [smem:$0x3FC7]  }
0x94: {  	[smem:s7], [sflag:s6] =	dma.local [hbm:s2], $0x1  }
0x95: {  	_ =	swait.eq [sflag:s6], $0x1  }
0x96: {  	s17 =	sld [smem:$0x10];
	[sflag:s6] =	ssyncset.done $0x0  }
0x97: {  	s18 =	sld [smem:$0x11];
	[sflag:s6] =	ssyncadd.s32 $0xFFFFFFFF  }
0x98: {  	s19 =	sld [smem:$0x12];
	(tm) =	ssettm $0x1  }
0x99: {  	s8 =	sld [smem:$0x3FFB];
	_ =	sdelay $0x3  }
0x9a: {  	_ =	strace s8  }
0x9b: {  	s8 =	sld [smem:$0x3FFC];
	_ =	sdelay $0x3  }
0x9c: {  	_ =	strace s8  }
0x9d: {  	s8 =	sld [smem:$0x3FFD];
	_ =	sdelay $0x3  }
0x9e: {  	_ =	strace s8  }
0x9f: {  	_ =	strace $0x8FFFFFFF  }
0xa0: {  	s20 =	sld [smem:$0x3FDB];
	_ =	sdelay $0x1  }
0xa1: {  	s9 =	simm.s32 $_scs_section_size  }
0xa2: {  	s10 =	simm.s32 $_size__tile_overlayer_lowered;
	s11 =	simm.s32 $_tile_overlayer_lowered  }
0xa3: {  	s23 =	simm.s32 $0x1BFF;
	s22 =	sshll.u32 s11, $0x1;
	s8 =	sadd.s32 s9, s20  }
0xa4: {  	s12 =	simm.s32 $0x0;
	s21 =	sshll.u32 s10, $0x1;
	s10 =	sadd.s32 s22, s8  }
0xa5: {  	[timem:s12], [sflag:s23] =	dma.local [hbm:s10], s21  }
0xa6: {  	_ =	swait.ge [sflag:s23], s21  }
0xa7: {  	s9 =	ssub.s32 $0x0, s21;
	[sflag:s23] =	ssyncset.done $0x0  }
0xa8: {  	[sflag:s23] =	ssyncadd.s32 s9;
	_ =	sdelay $0x1  }
0xa9: {  	s24 =	simm.s32 $0x1B8B  }
0xaa: {  	_ =	swait.ge [sflag:s24], $0x1  }
0xab: {  	[sflag:s24] =	ssyncset.done $0x0  }
0xac: {  	s25 =	simm.s32 $0x1B8E;
	[sflag:s24] =	ssyncadd.s32 $0xFFFFFFFF  }
0xad: {  	s26 =	simm.s32 $execute0_lowered;
	[smem:$0x3FD2] =	sst s25  }
0xae: {  	s9 =	sshll.u32 s26, $0x1;
	_ =	strace $0x80000046;
	[dreg:$0x1] =	wrdreg $0xFFFFFFFF  }
0xaf: {  	s28 =	simm.s32 $_size_execute0_lowered;
	s8 =	sadd.s32 s8, s9;
	[dreg:$0x0] =	wrdreg $0x0  }
0xb0: {  	s9 =	sshll.u32 s28, $0x1;
	[dreg:$0x2] =	wrdreg s8  }
0xb1: {  	[dreg:$0x3] =	wrdreg s9  }
0xb2: {  	[dreg:$0x4] =	wrdreg $0xC0  }
0xb3: {  	_ =	task [dreg:s12], $0x5FFFF  }
0xb4: {  	[dreg:$0x1] =	wrdreg $0xFFFFFFFF  }
0xb5: {  	[dreg:$0x0] =	wrdreg $0x60  }
0xb6: {  	[dreg:$0x2] =	wrdreg s16  }
0xb7: {  	[dreg:$0x3] =	wrdreg s4  }
0xb8: {  	[dreg:$0x4] =	wrdreg s5  }
0xb9: {  	[dreg:$0x5] =	wrdreg s17  }
0xba: {  	[dreg:$0x6] =	wrdreg s18  }
0xbb: {  	[dreg:$0x7] =	wrdreg s19  }
0xbc: {  	[dreg:$0x8] =	wrdreg $0x9  }
0xbd: {  	_ =	task.clear_ibuf [dreg:s12], $0x9FFFF;
	_ =	strace $0x90000046  }
0xbe: {  	s29 =	simm.s32 $0x9;
	_ =	strace $0x80000048  }
0xbf: {  	_ =	swait.ge [sflag:s29], $0x1  }
0xc0: {  	[sflag:s29] =	ssyncadd.s32 $0xFFFFFFFF  }
0xc1: {  	_ =	strace $0x90000048  }
0xc2: {  	_ =	sfence  }
0xc3: {  	s30 =	sld [smem:$0x0];
	_ =	sdelay $0x2  }
0xc4: {  	s31 =	sshll.u32 s1, $0xD;
	s1 =	sshrl.u32 s1, $0x2  }
0xc5: {  	s3 =	sand.u32 $0x4000, s31;
	s1 =	sadd.s32 s1, s30  }
0xc6: {  	s0 =	sor.u32 s3, s0;
	s1 =	sshll.u32 s1, $0x11  }
0xc7: {  	s0 =	sor.u32 s1, s0  }
0xc8: {  	s0 =	sadd.s32 $0x8F2B, s0  }
0xc9: {  	[sflag:s0] =	ssyncadd.remote.s32 $0x1  }
0xca: {  	_ =	sfence.sel $0xFFFF  }
0xcb: {  	[dreg:$0x0] =	wrdreg $0xFFFFFFFF;
	(pc) =	sbr.abs _section_cstart, $3  }
0xcc: {  	[dreg:$0x1] =	wrdreg $0xFFFFFFFF  }
0xcd: {  	_ =	task.clear_ibuf [dreg:s12], $0x2FFFF;
	_ =	strace $0x9FFFFFFF  }
0xce: {  	(tm) =	ssettm $0x7FFFFFFF  }
0xcf: {  	_ =	shalt  }
tec
execute0_lowered:
.L_overlay_start_1:
0x0: {  	(tag) =	ssettag $0x1  }
0x1: {  	s0 =	rddreg [dreg:$0x0];
	s7 =	stileid.u32  }
0x2: {  	s6 =	rddreg [dreg:$0x1];
	p0 =	sgt.u32 s7, $0x9  }
.Ltmp0:
0x3: {  	s5 =	rddreg [dreg:$0x2];
	(pc) =	sbr.rel @p0 .LBB2_20-.Ltmp0, $4  }
0x4: {  	s3 =	rddreg [dreg:$0x3]  }
0x5: {  	s4 =	rddreg [dreg:$0x4];
	s2 =	simm.s32 $0x0  }
0x6: {  	[smem:$0x7FF] =	sst s2  }
0x7: {  	s1 =	rddreg [dreg:$0x5];
	_ =	strace $0x80000047  }
0x8: {  	s7 =	srdreg.scid;
	s13 =	stileid.u32;
	s15 =	simm.s32 $0x1  }
0x9: {  	s16 =	simm.s32 $0x1400;
	s17 =	simm.s32 $0x2800;
	s18 =	simm.s32 $0x3C00  }
0xa: {  	s7 =	sand.u32 $0x1, s7;
	s8 =	sshll.u32 s13, $0x1;
	s13 =	sshrl.u32 s13, $0x2  }
0xb: {  	s28 =	simm.s32 $0x0;
	s8 =	sor.u32 s7, s8;
	s20 =	smul.u32 $0xA000, s13  }
0xc: {  	s7 =	ssub.s32 $0x2, s7;
	s13 =	simm.s32 $0x80;
	s24 =	smul.u32 $0x9C4, s8  }
0xd: {  	s9 =	sadd.s32 $0x1, s8;
	s21 =	sshll.u32 s8, $0x7;
	s25 =	smul.u32 $0x271, s8  }
0xe: {  	s26 =	scvt.s32.f32 s8;
	s29 =	sshrl.u32 s7, $0x1;
	s10 =	smul.u32 $0xA00, s9  }
0xf: {  	s12 =	sshrl.u32 s9, $0x3;
	s9 =	sshll.u32 s9, $0x7;
	s22 =	sand.u32 $0x380, s21  }
0x10: {  	s31 =	ssub.s32 s7, s29;
	s21 =	simm.s32 $0xC800;
	s12 =	smul.u32 $0xA000, s12  }
0x11: {  	s9 =	sand.u32 $0x380, s9;
	s23 =	sor.u32 s20, s22;
	s3 =	sadd.s32 s3, s24  }
0x12: {  	s30 =	sadd.s32 s4, s25;
	s1 =	sadd.s32 s1, s25;
	[dreg:$0xc] =	wrdreg s3  }
0x13: {  	s20 =	simm.s32 $0x5000;
	s11 =	sadd.s32 s10, s0;
	[dreg:$0xd] =	wrdreg s30  }
0x14: {  	s22 =	simm.s32 $0x12B80;
	[dreg:$0xe] =	wrdreg s1;
	s14 =	sadd.s32 $0x10, s11  }
0x15: {  	s19 =	sadd.s32 $0x20, s11;
	s9 =	sor.u32 s9, s12;
	[dreg:$0x7] =	wrdreg s14  }
0x16: {  	v0 =	vlaneseq.u32;
	s11 =	sadd.s32 $0x30, s11;
	[dreg:$0x8] =	wrdreg s19;
	s9 =	sshrl.u32 s9, $0x3  }
0x17: {  	v1 =	vmul.u32 $0x5, v0;
	s24 =	simm.s32 $0x15380;
	[dreg:$0x9] =	wrdreg s11;
	s6 =	sadd.s32 s6, s9  }
0x18: {  	v7 =	vimm.f32 $0.0e+00;
	v8 =	vimm.s32 $0x0;
	s12 =	smax.u32 s31, $0x1;
	[dreg:$0xa] =	wrdreg s6;
	s6 =	sshrl.u32 s23, $0x3  }
0x19: {  	v9 =	vmul.u32 $0x4, v0;
	v3 =	vadd.s32 $0x1, v1;
	v4 =	vadd.s32 $0x2, v1;
	s11 =	sadd.s32 s0, s10;
	s14 =	simm.s32 $0x200;
	s5 =	sadd.s32 s5, s6  }
0x1a: {  	v5 =	vadd.s32 $0x3, v1;
	v6 =	vadd.s32 $0x4, v1;
	v2 =	vmov s26;
	s19 =	simm.s32 $0x400;
	s23 =	simm.s32 $0x13F80;
	[dreg:$0xb] =	wrdreg s5  }
.LBB2_2:
0x1b: {  	s0 =	simm.s32 $0x0  }
0x1c: {  	[tilespmem:s0], [sflag:$0x1] =	stream.strided.gather [hbm4b:s11+s13], $0x1400, s14, s13, $0x38;
	[tilespmem:$0x1CB00] =	vst v63  }
0x1d: {  	_ =	swait.ge [sflag:s15], $0x1400  }
0x1e: {  	[sflag:s15] =	ssyncset.done $0x0  }
0x1f: {  	s1 =	rddreg [dreg:$0x7];
	[sflag:s15] =	ssyncadd.s32 $0xFFFFEC00  }
0x20: {  	[tilespmem:s16], [sflag:$0x1] =	stream.strided.gather [hbm4b:s1+s13], $0x1400, s14, s13, $0x38;
	[tilespmem:$0x1CB00] =	vst v63  }
0x21: {  	_ =	swait.ge [sflag:s15], $0x1400  }
0x22: {  	[sflag:s15] =	ssyncset.done $0x0  }
0x23: {  	s9 =	rddreg [dreg:$0x8];
	[sflag:s15] =	ssyncadd.s32 $0xFFFFEC00  }
0x24: {  	[tilespmem:s17], [sflag:$0x1] =	stream.strided.gather [hbm4b:s9+s13], $0x1400, s14, s13, $0x38;
	[tilespmem:$0x1CB00] =	vst v63  }
0x25: {  	_ =	swait.ge [sflag:s15], $0x1400  }
0x26: {  	[sflag:s15] =	ssyncset.done $0x0  }
0x27: {  	s10 =	rddreg [dreg:$0x9];
	[sflag:s15] =	ssyncadd.s32 $0xFFFFEC00  }
0x28: {  	[tilespmem:s18], [sflag:$0x1] =	stream.strided.gather [hbm4b:s10+s13], $0x1400, s14, s13, $0x38;
	[tilespmem:$0x1CB00] =	vst v63  }
0x29: {  	_ =	swait.ge [sflag:s15], $0x1400  }
0x2a: {  	[sflag:s15] =	ssyncset.done $0x0  }
0x2b: {  	s25 =	rddreg [dreg:$0xa];
	[sflag:s15] =	ssyncadd.s32 $0xFFFFEC00  }
0x2c: {  	[tilespmem:s20], [sflag:$0x1] =	stream.strided.gather [hbm4b:s25+s13], $0x1400, s19, s13, $0x38;
	[tilespmem:$0x1CB00] =	vst v63  }
0x2d: {  	_ =	swait.ge [sflag:s15], $0x1400  }
0x2e: {  	[sflag:s15] =	ssyncset.done $0x0  }
0x2f: {  	s26 =	simm.s32 $0x6400;
	s3 =	rddreg [dreg:$0xb];
	[sflag:s15] =	ssyncadd.s32 $0xFFFFEC00  }
0x30: {  	[tilespmem:s26], [sflag:$0x1] =	stream.strided.gather [hbm4b:s3+s13], $0x1400, s19, s13, $0x38;
	[tilespmem:$0x1CB00] =	vst v63  }
0x31: {  	_ =	swait.ge [sflag:s15], $0x1400  }
0x32: {  	[sflag:s15] =	ssyncset.done $0x0  }
0x33: {  	[sflag:s15] =	ssyncadd.s32 $0xFFFFEC00  }
0x34: {  	v10 =	vld [tilespmem:s26+$0x0];
	_ =	sdelay $0x7  }
0x35: {  	v11 =	vld.idx.msk [tilespmem:v10+s20+$0x0], $0xffff  }
0x36: {  	v12 =	vmov s0  }
0x37: {  	v12 =	vmul.u32 $0x5, v12;
	v13 =	vld.idx.msk [tilespmem:v10+s2+$0x0], $0xffff  }
0x38: {  	v14 =	vld.idx.msk [tilespmem:v10+s16+$0x0], $0xffff  }
0x39: {  	v12 =	vbroadcast v12, $0x0;
	v15 =	vld.idx.msk [tilespmem:v10+s17+$0x0], $0xffff  }
0x3a: {  	v10 =	vld.idx.msk [tilespmem:v10+s18+$0x0], $0xffff;
	vm0 =	vgt.f32 v11, $5.000000000e-01  }
0x3b: {  	s1 =	simm.s32 $0x7800;
	v11 =	vadd.s32 v1, v12;
	v16 =	vsel vm0, $0x1, v8  }
0x3c: {  	s29 =	simm.s32 $0x8C00;
	v17 =	vadd.s32 v3, v12;
	[tilespmem:s1+$0x0] =	vst v13;
	(xrf0) =	vadd.scan.msk.s32 $0xffff, v16  }
0x3d: {  	s4 =	simm.s32 $0xA000;
	[tilespmem:s29+$0x0] =	vst v14;
	v16 =	vadd.s32 v4, v12  }
0x3e: {  	s30 =	simm.s32 $0xB400;
	v18 =	vadd.s32 v5, v12;
	[tilespmem:s4+$0x0] =	vst v15  }
0x3f: {  	v12 =	vadd.s32 v6, v12;
	[tilespmem:s30+$0x0] =	vst v10  }
0x40: {  	v19 =	vsub.f32 v15, v13;
	v20 =	vsub.f32 v10, v14;
	[tilespmem:v11+s21+$0x0] =	vst.idx.msk $0xffff, v13  }
0x41: {  	[tilespmem:v17+s21+$0x0] =	vst.idx.msk $0xffff, v14  }
0x42: {  	v11 =	vmul.f32 v20, v19;
	[tilespmem:v16+s21+$0x0] =	vst.idx.msk $0xffff, v15;
	v13, _, _ =	vpop (xrf0)  }
0x43: {  	[tilespmem:v18+s21+$0x0] =	vst.idx.msk $0xffff, v10;
	(v2sf) =	vpush v13, $0xF  }
0x44: {  	v10 =	vsel vm0, $0x3F800000, v7;
	[tilespmem:v12+s21+$0x0] =	vst.idx.msk $0xffff, v11  }
0x45: {  	s5 =	simm.s32 $0x6410;
	[tilespmem:s22+$0x0] =	vst v10  }
0x46: {  	v13 =	vld [tilespmem:s5+$0x0];
	_ =	sdelay $0x7  }
0x47: {  	s31 =	simm.s32 $0x10;
	v15 =	vld.idx.msk [tilespmem:v13+s20+$0x0], $0xffff  }
0x48: {  	v12 =	vmov s31;
	v10 =	vld.idx.msk [tilespmem:v13+s2+$0x0], $0xffff  }
0x49: {  	v14 =	vmul.u32 $0x5, v12;
	v11 =	vld.idx.msk [tilespmem:v13+s16+$0x0], $0xffff  }
0x4a: {  	s7 =	simm.s32 $0x8C10;
	s6 =	simm.s32 $0xA010;
	s10 =	simm.s32 $0x20;
	v12 =	vld.idx.msk [tilespmem:v13+s17+$0x0], $0xffff  }
0x4b: {  	s3 =	simm.s32 $0x12B90;
	s4 =	simm.s32 $0xB410;
	v14 =	vbroadcast v14, $0x0;
	v13 =	vld.idx.msk [tilespmem:v13+s18+$0x0], $0xffff;
	s9 =	spop (v2sf)  }
.LBB2_3:
0x4c: {  	s0 =	sadd.s32 s0, s9  }
0x4d: {  	v16 =	vadd.s32 v1, v14;
	vm0 =	vgt.f32 v15, $5.000000000e-01;
	s1 =	sadd.s32 $0x10, s1;
	s9 =	smov.u32 s10;
	s8 =	sadd.s32 $0x10, s10  }
0x4e: {  	p0 =	sne.s32 s10, $0x13C0;
	v15 =	vadd.s32 v3, v14;
	[tilespmem:s1+$0x0] =	vst v10;
	v17 =	vsel vm0, $0x1, v8  }
0x4f: {  	v18 =	vadd.s32 v4, v14;
	[tilespmem:s7+$0x0] =	vst v11;
	(xrf0) =	vadd.scan.msk.s32 $0xffff, v17  }
0x50: {  	v17 =	vadd.s32 v5, v14;
	v19 =	vsub.f32 v12, v10;
	[tilespmem:s6+$0x0] =	vst v12  }
0x51: {  	v14 =	vadd.s32 v6, v14;
	v20 =	vsub.f32 v13, v11;
	[tilespmem:s4+$0x0] =	vst v13  }
0x52: {  	[tilespmem:v16+s21+$0x0] =	vst.idx.msk $0xffff, v10  }
0x53: {  	v10 =	vmul.f32 v20, v19;
	[tilespmem:v15+s21+$0x0] =	vst.idx.msk $0xffff, v11  }
0x54: {  	[tilespmem:v18+s21+$0x0] =	vst.idx.msk $0xffff, v12  }
0x55: {  	[tilespmem:v17+s21+$0x0] =	vst.idx.msk $0xffff, v13;
	v11, _, _ =	vpop (xrf0)  }
0x56: {  	[tilespmem:v14+s21+$0x0] =	vst.idx.msk $0xffff, v10;
	v10 =	vsel vm0, $0x3F800000, v7;
	(v2sf) =	vpush v11, $0xF  }
0x57: {  	s5 =	sadd.s32 $0x10, s5;
	[tilespmem:s3+$0x0] =	vst v10  }
0x58: {  	v13 =	vld [tilespmem:s5+$0x0];
	_ =	sdelay $0x7  }
0x59: {  	v15 =	vld.idx.msk [tilespmem:v13+s20+$0x0], $0xffff  }
.Ltmp1:
0x5a: {  	v12 =	vmov s9;
	v10 =	vld.idx.msk [tilespmem:v13+s2+$0x0], $0xffff;
	(pc) =	sbr.rel @p0 .LBB2_3-.Ltmp1, $4  }
0x5b: {  	v14 =	vmul.u32 $0x5, v12;
	v11 =	vld.idx.msk [tilespmem:v13+s16+$0x0], $0xffff  }
0x5c: {  	v12 =	vld.idx.msk [tilespmem:v13+s17+$0x0], $0xffff  }
0x5d: {  	s10 =	smov.u32 s8;
	s4 =	sadd.s32 $0x10, s4;
	s3 =	sadd.s32 $0x10, s3;
	v14 =	vbroadcast v14, $0x0;
	v13 =	vld.idx.msk [tilespmem:v13+s18+$0x0], $0xffff  }
0x5e: {  	s7 =	sadd.s32 $0x10, s7;
	s6 =	sadd.s32 $0x10, s6;
	s9 =	spop (v2sf)  }
0x5f: {  	vm0 =	vgt.f32 v15, $5.000000000e-01  }
0x60: {  	v15 =	vsel vm0, $0x1, v8  }
0x61: {  	(xrf0) =	vadd.scan.msk.s32 $0xffff, v15;
	_ =	sdelay $0x5  }
0x62: {  	v15, _, _ =	vpop (xrf0)  }
0x63: {  	(v2sf) =	vpush v15, $0xF;
	_ =	sdelay $0xb  }
0x64: {  	v62 =	vadd.s32 v1, v14;
	s1 =	sadd.s32 $0x10, s1  }
0x65: {  	v16 =	vadd.s32 v3, v14;
	[tilespmem:s1+$0x0] =	vst v10  }
0x66: {  	v17 =	vadd.s32 v4, v14;
	[tilespmem:s7+$0x0] =	vst v11  }
0x67: {  	v18 =	vadd.s32 v5, v14;
	s0 =	sadd.s32 s0, s9;
	[tilespmem:s6+$0x0] =	vst v12;
	s31 =	spop (v2sf)  }
0x68: {  	v63 =	vadd.s32 v6, v14;
	[tilespmem:s4+$0x0] =	vst v13;
	s29 =	sadd.s32 s0, s31  }
0x69: {  	v19 =	vsub.f32 v12, v10;
	v20 =	vsub.f32 v13, v11;
	[tilespmem:v62+s21+$0x0] =	vst.idx.msk $0xffff, v10;
	p0 =	slt.s32 s29, $0x1  }
.Ltmp2:
0x6a: {  	[tilespmem:v16+s21+$0x0] =	vst.idx.msk $0xffff, v11;
	(pc) =	sbr.rel @p0 .LBB2_15-.Ltmp2, $4  }
0x6b: {  	v10 =	vmul.f32 v20, v19;
	[tilespmem:v17+s21+$0x0] =	vst.idx.msk $0xffff, v12  }
0x6c: {  	[tilespmem:v18+s21+$0x0] =	vst.idx.msk $0xffff, v13  }
0x6d: {  	[tilespmem:v63+s21+$0x0] =	vst.idx.msk $0xffff, v10;
	v10 =	vsel vm0, $0x3F800000, v7  }
0x6e: {  	[tilespmem:s3+$0x0] =	vst v10  }
0x6f: {  	s0 =	sadd.s32 $0xF, s29  }
0x70: {  	s1 =	sand.u32 $0xF, s0;
	s3 =	sshra.s32 s0, $0x1F  }
.Ltmp3:
0x71: {  	p0 =	slt.s32 s0, $0x1;
	p1 =	sne.s32 s1, $0x0;
	(pc) =	sbr.rel .LBB2_6-.Ltmp3, $4  }
0x72: {  	s26 =	sshrl.u32 s3, $0x1C;
	p0 =	por !p0, !p1  }
0x73: {  	s1 =	simm.s32 $0x1;
	s0 =	sadd.s32 s26, s0;
	p0 =	por !p0, !p0  }
0x74: {  	s0 =	sshra.s32 s0, $0x4;
	s1 =	simm.s32 @!p0 $0x0  }
0x75: {  	s31 =	simm.s32 $0x0;
	s30 =	ssub.s32 s0, s1  }
.LBB2_14:
0x76: {  	s31 =	sadd.s32 $0x1, s31  }
0x77: {  	p0 =	sne.s32 s31, s29  }
.Ltmp4:
0x78: {  	_ = 	snop;
	(pc) =	sbr.rel @!p0 .LBB2_15-.Ltmp4, $1  }
0x79: {  	_ =	sdelay $0x3  }
.LBB2_6:
0x7a: {  	v10 =	vld [tilespmem:s31+$0x12B80];
	_ =	sdelay $0x4  }
0x7b: {  	(v2sf) =	vpush v10, $0x0;
	_ =	sdelay $0xe  }
0x7c: {  	s0 =	spop (v2sf)  }
0x7d: {  	p0 =	sgt.f32 s0, $0.0e+00  }
.Ltmp5:
0x7e: {  	_ = 	snop;
	(pc) =	sbr.rel @!p0 .LBB2_14-.Ltmp5, $1  }
0x7f: {  	_ =	sdelay $0x3  }
0x80: {  	s0 =	smul.u32 $0x14, s31  }
0x81: {  	s25 =	sand.u32 $0x7FFFFFF0, s31  }
0x82: {  	v15 =	vld [tilespmem:s25+$0x7800];
	s0 =	sshra.s32 s0, $0x2  }
0x83: {  	v14 =	vld [tilespmem:s0+$0xC800]  }
0x84: {  	v16 =	vld [tilespmem:s25+$0x8C00]  }
0x85: {  	v17 =	vld [tilespmem:s25+$0xA000]  }
0x86: {  	v18 =	vld [tilespmem:s25+$0xB400];
	_ =	sdelay $0x1  }
0x87: {  	v10 =	vbroadcast v14, $0x0;
	v11 =	vbroadcast v14, $0x2  }
0x88: {  	v12 =	vbroadcast v14, $0x1;
	v13 =	vbroadcast v14, $0x3  }
0x89: {  	v19 =	vmin.f32 v11, v17  }
0x8a: {  	v20 =	vmax.f32 v10, v15;
	v21 =	vmin.f32 v13, v18;
	v22 =	vmax.f32 v12, v16  }
0x8b: {  	v19 =	vsub.f32 v19, v20;
	v59 =	vsub.f32 v21, v22  }
0x8c: {  	v15 =	vsub.f32 v17, v15;
	v16 =	vsub.f32 v18, v16  }
0x8d: {  	v14 =	vbroadcast v14, $0x4;
	v60 =	vmax.f32 v19, $0.0e+00;
	v61 =	vmax.f32 v59, $0.0e+00  }
0x8e: {  	s26 =	sshrl.u32 s31, $0x4;
	v15 =	vmul.f32 v16, v15;
	v62 =	vmul.f32 v61, v60  }
0x8f: {  	s6 =	sadd.s32 $0x1, s26  }
0x90: {  	s0 =	ssub.s32 s30, s6;
	v15 =	vadd.f32 v15, v14;
	v16 =	vmul.f32 $3.000000000e+00, v62  }
0x91: {  	v63 =	vor.u32 s25, v0;
	s1 =	sshrl.u32 s0, $0x1E  }
0x92: {  	vm1 =	vgt.u32 v63, s31;
	s1 =	sadd.s32 s1, s0;
	vm0 =	vgt.f32 v16, v15  }
0x93: {  	s25 =	sand.u32 $0xFFFFFFFC, s1;
	vm0 =	vmand vm1, vm0  }
0x94: {  	p0 =	slt.s32 s25, $0x1  }
.Ltmp6:
0x95: {  	_ = 	snop;
	(pc) =	sbr.rel @p0 .LBB2_11-.Ltmp6, $2  }
0x96: {  	_ =	sdelay $0x2  }
0x97: {  	s1 =	sadd.s32 s6, s25;
	[tilespmem:v63+s22+$0x0] =	vst.idx.msk vm0, v7  }
0x98: {  	s3 =	sshll.u32 s31, $0x2  }
0x99: {  	s3 =	sshra.s32 s3, $0x2  }
0x9a: {  	s4 =	sand.u32 $0xFFFFFFF0, s31;
	s7 =	sand.u32 $0xFFFFFFF0, s3  }
0x9b: {  	s26 =	sadd.s32 $0x40, s4;
	s3 =	sadd.s32 $0xA020, s7  }
0x9c: {  	s4 =	sadd.s32 $0xB440, s7;
	s5 =	sadd.s32 $0x8C20, s7;
	s7 =	sadd.s32 $0x7820, s7  }
0x9d: {  	v15 =	vld [tilespmem:s7+$0x20]  }
0x9e: {  	v16 =	vld [tilespmem:s5+$0x20]  }
0x9f: {  	v17 =	vld [tilespmem:s3+$0x20]  }
0xa0: {  	v18 =	vld [tilespmem:s4+$0x0]  }
0xa1: {  	v19 =	vld [tilespmem:s7+$0xFFFFFFF0]  }
0xa2: {  	v21 =	vld [tilespmem:s3+$0xFFFFFFF0]  }
0xa3: {  	v22 =	vld [tilespmem:s4+$0xFFFFFFD0]  }
0xa4: {  	v20 =	vld [tilespmem:s5+$0xFFFFFFF0];
	v23 =	vmin.f32 v11, v17  }
0xa5: {  	v24 =	vld [tilespmem:s7+$0x0];
	v25 =	vmax.f32 v10, v15;
	v26 =	vmin.f32 v13, v18;
	v27 =	vmax.f32 v12, v16  }
0xa6: {  	v29 =	vld [tilespmem:s5+$0x0];
	v28 =	vmax.f32 v10, v19;
	v23 =	vsub.f32 v23, v25;
	v25 =	vsub.f32 v26, v27  }
0xa7: {  	v15 =	vsub.f32 v17, v15;
	v16 =	vsub.f32 v18, v16;
	v17 =	vmin.f32 v11, v21;
	v27 =	vld [tilespmem:s3+$0x0]  }
0xa8: {  	v18 =	vld [tilespmem:s4+$0xFFFFFFE0];
	v30 =	vmin.f32 v13, v22;
	v23 =	vmax.f32 v23, $0.0e+00;
	v25 =	vmax.f32 v25, $0.0e+00  }
0xa9: {  	v31 =	vld [tilespmem:s7+$0x10];
	v26 =	vmax.f32 v12, v20;
	v15 =	vmul.f32 v16, v15;
	v16 =	vmul.f32 v25, v23  }
0xaa: {  	v63 =	vld [tilespmem:s3+$0x10];
	v23 =	vsub.f32 v17, v28;
	v25 =	vsub.f32 v30, v26;
	v17 =	vmax.f32 v10, v24  }
0xab: {  	v26 =	vld [tilespmem:s5+$0x10];
	v28 =	vmax.f32 v12, v29;
	v33 =	vadd.f32 v15, v14;
	v32 =	vmul.f32 $3.000000000e+00, v16  }
0xac: {  	s6 =	sadd.s32 $0x4, s6;
	v34 =	vld [tilespmem:s4+$0xFFFFFFF0];
	v15 =	vsub.f32 v21, v19;
	v16 =	vsub.f32 v22, v20;
	v19 =	vmin.f32 v11, v27  }
0xad: {  	p0 =	slt.s32 s6, s1;
	v35 =	vsub.f32 v19, v17;
	v17 =	vmin.f32 v13, v18;
	vm0 =	vgt.f32 v32, v33  }
.Ltmp7:
0xae: {  	v20 =	vsub.f32 v18, v29;
	v22 =	vsub.f32 v17, v28;
	v17 =	vor.u32 s26, v0;
	(pc) =	sbr.rel @!p0 .LBB2_10-.Ltmp7, $4  }
0xaf: {  	v23 =	vmax.f32 v23, $0.0e+00;
	v19 =	vsub.f32 v27, v24;
	v18 =	vsub.f32 v63, v31  }
0xb0: {  	v24 =	vmin.f32 v11, v63;
	v28 =	vmax.f32 v10, v31;
	v29 =	vmax.f32 v12, v26  }
0xb1: {  	s10 =	sadd.s32 $0xFFFFFFD0, s26;
	v21 =	vsub.f32 v34, v26;
	v24 =	vsub.f32 v24, v28;
	v26 =	vmin.f32 v13, v34  }
0xb2: {  	s9 =	sadd.s32 $0xFFFFFFE0, s26;
	s8 =	sadd.s32 $0xFFFFFFF0, s26;
	s7 =	sadd.s32 $0x40, s7;
	v27 =	vmax.f32 v25, $0.0e+00;
	v25 =	vmax.f32 v35, $0.0e+00;
	v26 =	vsub.f32 v26, v29  }
.LBB2_9:
0xb3: {  	v28 =	vld [tilespmem:s7+$0x20];
	v23 =	vmul.f32 v27, v23;
	v22 =	vmax.f32 v22, $0.0e+00;
	v24 =	vmax.f32 v24, $0.0e+00;
	[tilespmem:v17+s22+$0x0] =	vst.idx.msk vm0, v7;
	s5 =	sadd.s32 $0x40, s5  }
0xb4: {  	v15 =	vmul.f32 v16, v15;
	s3 =	sadd.s32 $0x40, s3;
	v17 =	vld [tilespmem:s5+$0x20];
	v16 =	vmul.f32 v22, v25;
	v22 =	vmax.f32 v26, $0.0e+00  }
0xb5: {  	v19 =	vmul.f32 v20, v19;
	s4 =	sadd.s32 $0x40, s4;
	v26 =	vor.u32 s10, v0;
	v25 =	vld [tilespmem:s3+$0x20];
	v20 =	vmul.f32 v22, v24  }
0xb6: {  	s6 =	sadd.s32 $0x4, s6;
	v18 =	vmul.f32 v21, v18;
	v23 =	vmul.f32 $3.000000000e+00, v23;
	v15 =	vadd.f32 v15, v14;
	v22 =	vld [tilespmem:s4+$0x0]  }
0xb7: {  	p0 =	slt.s32 s6, s1;
	v19 =	vadd.f32 v19, v14;
	v16 =	vmul.f32 $3.000000000e+00, v16;
	v21 =	vld [tilespmem:s7+$0xFFFFFFF0];
	v20 =	vmul.f32 $3.000000000e+00, v20  }
0xb8: {  	v18 =	vadd.f32 v18, v14;
	vm2 =	vgt.f32 v23, v15;
	v15 =	vor.u32 s9, v0;
	v24 =	vld [tilespmem:s5+$0xFFFFFFF0]  }
0xb9: {  	vm0 =	vgt.f32 v16, v19;
	v19 =	vor.u32 s8, v0;
	v23 =	vld [tilespmem:s3+$0xFFFFFFF0]  }
0xba: {  	vm1 =	vgt.f32 v20, v18;
	v16 =	vld [tilespmem:s4+$0xFFFFFFD0];
	v27 =	vmin.f32 v11, v25  }
0xbb: {  	v20 =	vmax.f32 v10, v28;
	v30 =	vmax.f32 v12, v17;
	v18 =	vld [tilespmem:s7+$0x0];
	v29 =	vmin.f32 v13, v22  }
0xbc: {  	v20 =	vsub.f32 v27, v20;
	v31 =	vmax.f32 v10, v21;
	v32 =	vld [tilespmem:s5+$0x0];
	v27 =	vsub.f32 v29, v30  }
0xbd: {  	v25 =	vsub.f32 v25, v28;
	v17 =	vsub.f32 v22, v17;
	v29 =	vmax.f32 v12, v24;
	v30 =	vld [tilespmem:s3+$0x0]  }
0xbe: {  	v20 =	vmax.f32 v20, $0.0e+00;
	v22 =	vmin.f32 v11, v23;
	v28 =	vld [tilespmem:s4+$0xFFFFFFE0];
	v27 =	vmax.f32 v27, $0.0e+00;
	[tilespmem:v26+s22+$0x0] =	vst.idx.msk vm2, v7  }
0xbf: {  	v17 =	vmul.f32 v17, v25;
	v26 =	vmin.f32 v13, v16;
	v33 =	vld [tilespmem:s7+$0x10];
	v20 =	vmul.f32 v27, v20  }
0xc0: {  	v25 =	vsub.f32 v22, v31;
	v26 =	vsub.f32 v26, v29;
	v22 =	vmax.f32 v10, v18;
	v27 =	vld [tilespmem:s5+$0x10]  }
0xc1: {  	v17 =	vadd.f32 v17, v14;
	v29 =	vmax.f32 v12, v32;
	v31 =	vld [tilespmem:s3+$0x10];
	v20 =	vmul.f32 $3.000000000e+00, v20;
	[tilespmem:v15+s22+$0x0] =	vst.idx.msk vm0, v7  }
0xc2: {  	s26 =	sadd.s32 $0x40, s26;
	v16 =	vsub.f32 v16, v24;
	v15 =	vsub.f32 v23, v21;
	v21 =	vmin.f32 v11, v30;
	v34 =	vld [tilespmem:s4+$0xFFFFFFF0]  }
0xc3: {  	s10 =	sadd.s32 $0xFFFFFFD0, s26;
	v35 =	vsub.f32 v21, v22;
	v21 =	vmin.f32 v13, v28;
	vm0 =	vgt.f32 v20, v17  }
.Ltmp8:
0xc4: {  	s9 =	sadd.s32 $0xFFFFFFE0, s26;
	s8 =	sadd.s32 $0xFFFFFFF0, s26;
	v17 =	vor.u32 s26, v0;
	v22 =	vsub.f32 v21, v29;
	v24 =	vmax.f32 v10, v33;
	[tilespmem:v19+s22+$0x0] =	vst.idx.msk vm1, v7;
	(pc) =	sbr.rel @p0 .LBB2_9-.Ltmp8, $4  }
0xc5: {  	v20 =	vsub.f32 v28, v32;
	v19 =	vsub.f32 v30, v18;
	v28 =	vmax.f32 v12, v27  }
0xc6: {  	v23 =	vmax.f32 v25, $0.0e+00;
	v18 =	vsub.f32 v31, v33;
	v25 =	vmin.f32 v11, v31  }
0xc7: {  	v21 =	vsub.f32 v34, v27;
	v24 =	vsub.f32 v25, v24;
	v29 =	vmin.f32 v13, v34  }
0xc8: {  	s7 =	sadd.s32 $0x40, s7;
	v27 =	vmax.f32 v26, $0.0e+00;
	v25 =	vmax.f32 v35, $0.0e+00;
	v26 =	vsub.f32 v29, v28  }
.LBB2_10:
0xc9: {  	v23 =	vmul.f32 v27, v23;
	v22 =	vmax.f32 v22, $0.0e+00  }
0xca: {  	v24 =	vmax.f32 v24, $0.0e+00;
	v15 =	vmul.f32 v16, v15;
	v19 =	vmul.f32 v20, v19  }
0xcb: {  	v18 =	vmul.f32 v21, v18;
	v58 =	vmul.f32 v22, v25;
	v59 =	vmax.f32 v26, $0.0e+00  }
0xcc: {  	v60 =	vmul.f32 v59, v24;
	v61 =	vmul.f32 $3.000000000e+00, v23;
	v15 =	vadd.f32 v15, v14  }
0xcd: {  	v19 =	vadd.f32 v19, v14;
	v16 =	vmul.f32 $3.000000000e+00, v58  }
0xce: {  	v20 =	vmul.f32 $3.000000000e+00, v60;
	vm1 =	vgt.f32 v61, v15;
	v15 =	vadd.f32 v18, v14  }
0xcf: {  	v62 =	vor.u32 s10, v0;
	vm2 =	vgt.f32 v16, v19  }
0xd0: {  	v63 =	vor.u32 s9, v0;
	vm3 =	vgt.f32 v20, v15  }
0xd1: {  	v15 =	vor.u32 s8, v0;
	_ =	sdelay $0x1  }
0xd2: {  	[tilespmem:v17+s22+$0x0] =	vst.idx.msk vm0, v7  }
0xd3: {  	[tilespmem:v62+s22+$0x0] =	vst.idx.msk vm1, v7  }
0xd4: {  	[tilespmem:v63+s22+$0x0] =	vst.idx.msk vm2, v7  }
0xd5: {  	[tilespmem:v15+s22+$0x0] =	vst.idx.msk vm3, v7  }
.LBB2_11:
0xd6: {  	p0 =	sge.s32 s1, s30  }
.Ltmp9:
0xd7: {  	_ = 	snop;
	(pc) =	sbr.rel @p0 .LBB2_14-.Ltmp9, $1  }
0xd8: {  	_ =	sdelay $0x3  }
0xd9: {  	s3 =	sshll.u32 s1, $0x6  }
0xda: {  	s6 =	sshra.s32 s3, $0x2  }
0xdb: {  	s0 =	ssub.s32 s0, s25;
	s1 =	sshll.u32 s1, $0x4;
	s3 =	sadd.s32 $0x7800, s6  }
0xdc: {  	s4 =	sadd.s32 $0x8C00, s6;
	s5 =	sadd.s32 $0xA000, s6;
	s6 =	sadd.s32 $0xB400, s6  }
.LBB2_13:
0xdd: {  	v15 =	vld [tilespmem:s3+$0x0]  }
0xde: {  	v16 =	vld [tilespmem:s4+$0x0]  }
0xdf: {  	v17 =	vld [tilespmem:s5+$0x0]  }
0xe0: {  	v18 =	vld [tilespmem:s6+$0x0];
	_ =	sdelay $0x3  }
0xe1: {  	v19 =	vmin.f32 v11, v17  }
0xe2: {  	v20 =	vmax.f32 v10, v15;
	v21 =	vmin.f32 v13, v18;
	v22 =	vmax.f32 v12, v16  }
0xe3: {  	v19 =	vsub.f32 v19, v20;
	v60 =	vsub.f32 v21, v22  }
0xe4: {  	v15 =	vsub.f32 v17, v15;
	v16 =	vsub.f32 v18, v16  }
0xe5: {  	v61 =	vmax.f32 v19, $0.0e+00;
	v62 =	vmax.f32 v60, $0.0e+00  }
0xe6: {  	v15 =	vmul.f32 v16, v15;
	v63 =	vmul.f32 v62, v61;
	_ =	sdelay $0x1  }
0xe7: {  	v15 =	vadd.f32 v15, v14;
	v16 =	vmul.f32 $3.000000000e+00, v63;
	_ =	sdelay $0x1  }
0xe8: {  	vm0 =	vgt.f32 v16, v15  }
0xe9: {  	p0 =	sne.s32 s0, $0x1;
	v15 =	vor.u32 s1, v0  }
.Ltmp10:
0xea: {  	_ = 	snop;
	(pc) =	sbr.rel @p0 .LBB2_13-.Ltmp10, $3  }
0xeb: {  	_ =	sdelay $0x1  }
0xec: {  	s3 =	sadd.s32 $0x10, s3;
	s4 =	sadd.s32 $0x10, s4;
	s5 =	sadd.s32 $0x10, s5  }
0xed: {  	s6 =	sadd.s32 $0x10, s6;
	s0 =	sadd.s32 $0xFFFFFFFF, s0;
	s1 =	sadd.s32 $0x10, s1;
	[tilespmem:v15+s22+$0x0] =	vst.idx.msk vm0, v7  }
.Ltmp11:
0xee: {  	_ = 	snop;
	(pc) =	sbr.rel .LBB2_14-.Ltmp11, $1  }
0xef: {  	_ =	sdelay $0x3  }
.LBB2_15:
0xf0: {  	s1 =	simm.s32 $0x0;
	s3 =	simm.s32 $0x0;
	s0 =	simm.s32 $0x40  }
.LBB2_16:
0xf1: {  	p0 =	sne.s32 s0, $0x4F00;
	v10 =	vld [tilespmem:s3+$0x6400];
	_ =	sdelay $0x2  }
0xf2: {  	v11 =	vld [tilespmem:s3+$0x12B80]  }
.Ltmp12:
0xf3: {  	(pc) =	sbr.rel @p0 .LBB2_16-.Ltmp12, $2  }
0xf4: {  	_ =	sdelay $0x2  }
0xf5: {  	s3 =	sshra.s32 s0, $0x2;
	s0 =	sadd.s32 $0x40, s0;
	[tilespmem:v10+s23+$0x0] =	vst.idx.msk $0xffff, v11  }
0xf6: {  	v10 =	vld [tilespmem:s3+$0x6400];
	_ =	sdelay $0x2  }
0xf7: {  	v11 =	vld [tilespmem:s3+$0x12B80];
	_ =	sdelay $0x4  }
0xf8: {  	s0 =	simm.s32 $0x0;
	[tilespmem:v10+s23+$0x0] =	vst.idx.msk $0xffff, v11  }
0xf9: {  	v13 =	vld [tilespmem:s0+$0x13F80]  }
0xfa: {  	v10 =	vmov s1;
	v11 =	vld [tilespmem:s0+$0x0]  }
0xfb: {  	v10 =	vshll.u32 v10, $0x2  }
0xfc: {  	v10 =	vor.u32 v9, v10;
	_ =	sdelay $0x2  }
0xfd: {  	v11 =	vmul.f32 v11, v13;
	_ =	sdelay $0x1  }
0xfe: {  	[tilespmem:v10+s24+$0x0] =	vst.idx.msk $0xffff, v11  }
0xff: {  	v11 =	vld [tilespmem:s0+$0x1400];
	_ =	sdelay $0x1  }
0x100: {  	v12 =	vor.u32 $0x1, v10;
	_ =	sdelay $0x2  }
0x101: {  	v11 =	vmul.f32 v11, v13;
	_ =	sdelay $0x1  }
0x102: {  	[tilespmem:v12+s24+$0x0] =	vst.idx.msk $0xffff, v11  }
0x103: {  	v11 =	vld [tilespmem:s0+$0x2800];
	_ =	sdelay $0x1  }
0x104: {  	v12 =	vor.u32 $0x2, v10;
	_ =	sdelay $0x2  }
0x105: {  	v11 =	vmul.f32 v11, v13;
	_ =	sdelay $0x1  }
0x106: {  	[tilespmem:v12+s24+$0x0] =	vst.idx.msk $0xffff, v11  }
0x107: {  	v11 =	vld [tilespmem:s0+$0x3C00];
	_ =	sdelay $0x1  }
0x108: {  	v10 =	vor.u32 $0x3, v10;
	_ =	sdelay $0x2  }
0x109: {  	v11 =	vmul.f32 v11, v13  }
0x10a: {  	v12 =	vmul.f32 v13, v2  }
0x10b: {  	[tilespmem:v10+s24+$0x0] =	vst.idx.msk $0xffff, v11  }
0x10c: {  	s4 =	simm.s32 $0x10;
	[tilespmem:s0+$0x1A300] =	vst v12;
	v14 =	vld [tilespmem:s0+$0x5000]  }
0x10d: {  	s1 =	simm.s32 $0x10;
	v11 =	vld [tilespmem:s4+$0x13F80]  }
0x10e: {  	v10 =	vmov s1;
	v12 =	vld [tilespmem:s4+$0x0]  }
0x10f: {  	v10 =	vshll.u32 v10, $0x2  }
0x110: {  	v10 =	vor.u32 v9, v10  }
0x111: {  	s3 =	simm.s32 $0x80;
	v13 =	vmul.f32 v14, v13  }
.LBB2_18:
0x112: {  	p0 =	sne.s32 s3, $0x4F00;
	v14 =	vmov v11;
	s5 =	smov.u32 s3;
	s3 =	sadd.s32 $0x40, s3  }
0x113: {  	v11 =	vmul.f32 v12, v14;
	[tilespmem:s0+$0x1B700] =	vst v13;
	s0 =	smov.u32 s4;
	_ =	sdelay $0x1  }
0x114: {  	[tilespmem:v10+s24+$0x0] =	vst.idx.msk $0xffff, v11  }
0x115: {  	v11 =	vld [tilespmem:s0+$0x1400]  }
0x116: {  	v12 =	vor.u32 $0x1, v10;
	_ =	sdelay $0x3  }
0x117: {  	v11 =	vmul.f32 v11, v14;
	_ =	sdelay $0x1  }
0x118: {  	[tilespmem:v12+s24+$0x0] =	vst.idx.msk $0xffff, v11  }
0x119: {  	v11 =	vld [tilespmem:s0+$0x2800]  }
0x11a: {  	v12 =	vor.u32 $0x2, v10;
	_ =	sdelay $0x3  }
0x11b: {  	v11 =	vmul.f32 v11, v14;
	_ =	sdelay $0x1  }
0x11c: {  	[tilespmem:v12+s24+$0x0] =	vst.idx.msk $0xffff, v11  }
0x11d: {  	v11 =	vld [tilespmem:s0+$0x3C00]  }
0x11e: {  	v10 =	vor.u32 $0x3, v10;
	_ =	sdelay $0x3  }
0x11f: {  	v11 =	vmul.f32 v11, v14  }
0x120: {  	v12 =	vmul.f32 v14, v2  }
0x121: {  	[tilespmem:v10+s24+$0x0] =	vst.idx.msk $0xffff, v11  }
0x122: {  	s1 =	sadd.s32 $0x10, s1;
	s4 =	sshra.s32 s5, $0x2;
	[tilespmem:s0+$0x1A300] =	vst v12;
	v13 =	vld [tilespmem:s0+$0x5000]  }
.Ltmp13:
0x123: {  	v10 =	vmov s1;
	v11 =	vld [tilespmem:s4+$0x13F80];
	(pc) =	sbr.rel @p0 .LBB2_18-.Ltmp13, $3  }
0x124: {  	v10 =	vshll.u32 v10, $0x2;
	v12 =	vld [tilespmem:s4+$0x0]  }
0x125: {  	v10 =	vor.u32 v9, v10;
	_ =	sdelay $0x1  }
0x126: {  	v13 =	vmul.f32 v13, v14  }
0x127: {  	_ =	sdelay $0x1  }
0x128: {  	v12 =	vmul.f32 v12, v11  }
0x129: {  	[tilespmem:s0+$0x1B700] =	vst v13  }
0x12a: {  	[tilespmem:v10+s24+$0x0] =	vst.idx.msk $0xffff, v12  }
0x12b: {  	v12 =	vld [tilespmem:s4+$0x1400];
	_ =	sdelay $0x1  }
0x12c: {  	v61 =	vor.u32 $0x1, v10;
	_ =	sdelay $0x2  }
0x12d: {  	v12 =	vmul.f32 v12, v11;
	_ =	sdelay $0x1  }
0x12e: {  	[tilespmem:v61+s24+$0x0] =	vst.idx.msk $0xffff, v12  }
0x12f: {  	v12 =	vld [tilespmem:s4+$0x2800];
	_ =	sdelay $0x1  }
0x130: {  	v62 =	vor.u32 $0x2, v10;
	_ =	sdelay $0x2  }
0x131: {  	v12 =	vmul.f32 v12, v11;
	_ =	sdelay $0x1  }
0x132: {  	[tilespmem:v62+s24+$0x0] =	vst.idx.msk $0xffff, v12  }
0x133: {  	v12 =	vld [tilespmem:s4+$0x3C00];
	_ =	sdelay $0x1  }
0x134: {  	v10 =	vor.u32 $0x3, v10;
	_ =	sdelay $0x2  }
0x135: {  	v12 =	vmul.f32 v12, v11;
	_ =	sdelay $0x1  }
0x136: {  	[tilespmem:v10+s24+$0x0] =	vst.idx.msk $0xffff, v12  }
0x137: {  	v10 =	vld [tilespmem:s4+$0x5000];
	_ =	sdelay $0x3  }
0x138: {  	v63 =	vmul.f32 v11, v2  }
0x139: {  	v10 =	vmul.f32 v10, v11  }
0x13a: {  	[tilespmem:s4+$0x1A300] =	vst v63  }
0x13b: {  	s26 =	rddreg [dreg:$0xc];
	[tilespmem:s4+$0x1B700] =	vst v10  }
0x13c: {  	[hbm4b:s26+s2] =	stream.linear.scatter [tilespmem:s24], [sflag:$0x1], $0x4E20, $0x38;
	[tilespmem:$0x1CB00] =	vst v63  }
0x13d: {  	_ =	swait.ge [sflag:s15], $0x4E20  }
0x13e: {  	[sflag:s15] =	ssyncset.done $0x0  }
0x13f: {  	s1 =	simm.s32 $0x1A300;
	s29 =	rddreg [dreg:$0xd];
	[sflag:s15] =	ssyncadd.s32 $0xFFFFB1E0  }
0x140: {  	[hbm4b:s29+s2] =	stream.linear.scatter [tilespmem:s1], [sflag:$0x1], $0x1388, $0x38;
	[tilespmem:$0x1CB00] =	vst v63  }
0x141: {  	s28 =	sadd.s32 $0x1, s28;
	_ =	swait.ge [sflag:s15], $0x1388  }
0x142: {  	s31 =	simm.s32 $0x1B700;
	p0 =	sne.s32 s28, s12;
	[sflag:s15] =	ssyncset.done $0x0  }
.Ltmp14:
0x143: {  	s30 =	rddreg [dreg:$0xe];
	[sflag:s15] =	ssyncadd.s32 $0xFFFFEC78;
	(pc) =	sbr.rel @p0 .LBB2_2-.Ltmp14, $4  }
0x144: {  	[hbm4b:s30+s2] =	stream.linear.scatter [tilespmem:s31], [sflag:$0x1], $0x1388, $0x38;
	[tilespmem:$0x1CB00] =	vst v63  }
0x145: {  	_ =	swait.ge [sflag:s15], $0x1388  }
0x146: {  	[sflag:s15] =	ssyncset.done $0x0  }
0x147: {  	[sflag:s15] =	ssyncadd.s32 $0xFFFFEC78  }
.LBB2_20:
0x148: {  	_ =	sfence.sel $0x180000  }
0x149: {  	[bflag:$0x0] =	sbarrier.arrive $0xFFFF  }
0x14a: {  	_ =	strace $0x90000047  }
0x14b: {  	s0 =	stileid.u32;
	[bflag:$0x2] =	sbarrier.arrive $0xFFFF  }
0x14c: {  	p0 =	sne.s32 s0, $0x0;
	s0 =	rddreg [dreg:$0x6]  }
0x14d: {  	s0 =	sadd.s32 @!p0 $0x100000, s0  }
0x14e: {  	[sflag:s0] =	ssyncadd.tile.s32 @!p0 $0x1;
	_ =	shalt  }
.Lfunc_end2:
_tile_overlayer_lowered:
.L_overlay_start_2:
0x14f: {  	(tag) =	ssettag $0x2  }
0x150: {  	s0 =	rddreg [dreg:$0x0];
	s2 =	stileid.u32  }
0x151: {  	s1 =	rddreg [dreg:$0x1];
	p0 =	sne.s32 s2, $0x0  }
0x152: {  	s3 =	rddreg [dreg:$0x2];
	[bflag:$0x3] =	sbarrier.arrive $0xFFFF;
	s2 =	simm.s32 @!p0 $0x1C01  }
0x153: {  	[timem:s3], [sflag:s2] =	dma.local @!p0 [hbm:s0], s1  }
0x154: {  	s0 =	simm.s32 @!p0 $0x1  }
0x155: {  	_ =	swait.ge @!p0 [sflag:s0], s1  }
0x156: {  	s1 =	ssub.s32 @!p0 $0x0, s1;
	[sflag:s0] =	ssyncset.done @!p0 $0x0  }
0x157: {  	[sflag:s0] =	ssyncadd.s32 @!p0 s1  }
0x158: {  	[bflag:$0x3] =	sbarrier.arrive $0xFFFF  }
0x159: {  	_ =	shalt  }

</sc_bundles>
